<compile_context>
chip_gen: v7x
topology: tpu7x:2x2x1
jax: 0.10.2.dev20260603
libtpu: 0.0.44.dev20260713+nightly
codegen_flags: <defaults>
</compile_context>

<pallas_src>
import functools

import jax
import jax.numpy as jnp
from jax import lax
from jax.experimental import pallas as pl
from jax.experimental.pallas import tpu as pltpu
from jax.experimental.pallas import tpu_sc as plsc

N_SEG = 10000
N_SEG_P = 10240
NNZ = 320000
D = 128
NC = 2
NS = 16
PER_TILE = NNZ // NS
SUB = 80
SCHUNK = 160
N_SCHUNK = PER_TILE // SCHUNK
S_NSUB = SCHUNK // SUB
GCHUNK = 400
N_GCHUNK = PER_TILE // GCHUNK
G_NSUB = GCHUNK // SUB
ROWS_PT = N_SEG_P // NS


@functools.cache
def _mesh():
    return plsc.VectorSubcoreMesh(
        core_axis_name="c", subcore_axis_name="s", num_cores=NC, num_subcores=NS)


def _seg_sums_body(values, idxflat, zsum, sums,
                   vals_vs, idx_vs, sh_sum, sems):
    c = lax.axis_index("c")
    s = lax.axis_index("s")
    pltpu.sync_copy(zsum.at[pl.ds(s * ROWS_PT, ROWS_PT)],
                    sh_sum.at[pl.ds(s * ROWS_PT, ROWS_PT)])
    plsc.subcore_barrier()

    def fire_loads(i, b):
        base = s * PER_TILE + i * SCHUNK
        loads = [pltpu.async_copy(
                     idxflat.at[pl.ds(c * NNZ + base + j * SUB, SUB)],
                     idx_vs[b][j], sems[b]) for j in range(S_NSUB)]
        loads.append(pltpu.async_copy(values.at[pl.ds(base, SCHUNK)],
                                      vals_vs[b], sems[b]))
        return loads

    def fire_adds(b):
        return [pltpu.async_copy(vals_vs[b].at[pl.ds(j * SUB, SUB)],
                                 sh_sum.at[idx_vs[b][j]], sems[b], add=True)
                for j in range(S_NSUB)]

    @pl.loop(0, N_SCHUNK - 1, step=2)
    def _pair(i):
        l0 = fire_loads(i, 0)
        for dsc in l0:
            dsc.wait()
        a0 = fire_adds(0)
        l1 = fire_loads(i + 1, 1)
        for dsc in a0:
            dsc.wait()
        for dsc in l1:
            dsc.wait()
        a1 = fire_adds(1)
        for dsc in a1:
            dsc.wait()

    lt = fire_loads(N_SCHUNK - 1, 0)
    for dsc in lt:
        dsc.wait()
    at = fire_adds(0)
    for dsc in at:
        dsc.wait()

    plsc.subcore_barrier()
    pltpu.sync_copy(sh_sum.at[pl.ds(s * ROWS_PT, ROWS_PT)],
                    sums.at[c, pl.ds(s * ROWS_PT, ROWS_PT)])


@functools.cache
def _seg_sums():
    return pl.kernel(
        _seg_sums_body,
        out_type=jax.ShapeDtypeStruct((NC, N_SEG_P, D), jnp.float32),
        mesh=_mesh(),
        scratch_types=[[pltpu.VMEM((SCHUNK, D), jnp.float32) for _ in range(2)],
                       [[pltpu.VMEM((SUB,), jnp.int32) for _ in range(S_NSUB)]
                        for _ in range(2)],
                       pltpu.VMEM_SHARED((N_SEG_P, D), jnp.float32),
                       [pltpu.SemaphoreType.DMA for _ in range(2)]],
    )


def _seg_cnts_body(idxflat, zsum, ones_in, cnts,
                   ones_v, idx_vs, sh_cnt, sems):
    c = lax.axis_index("c")
    s = lax.axis_index("s")
    pltpu.sync_copy(ones_in, ones_v)
    pltpu.sync_copy(zsum.at[pl.ds(s * ROWS_PT, ROWS_PT)],
                    sh_cnt.at[pl.ds(s * ROWS_PT, ROWS_PT)])
    plsc.subcore_barrier()

    def fire_loads(i, b):
        base = s * PER_TILE + i * SCHUNK
        return [pltpu.async_copy(
                    idxflat.at[pl.ds(c * NNZ + base + j * SUB, SUB)],
                    idx_vs[b][j], sems[b]) for j in range(S_NSUB)]

    def fire_adds(b):
        return [pltpu.async_copy(ones_v, sh_cnt.at[idx_vs[b][j]], sems[b],
                                 add=True) for j in range(S_NSUB)]

    @pl.loop(0, N_SCHUNK - 1, step=2)
    def _pair(i):
        l0 = fire_loads(i, 0)
        for dsc in l0:
            dsc.wait()
        a0 = fire_adds(0)
        l1 = fire_loads(i + 1, 1)
        for dsc in a0:
            dsc.wait()
        for dsc in l1:
            dsc.wait()
        a1 = fire_adds(1)
        for dsc in a1:
            dsc.wait()

    lt = fire_loads(N_SCHUNK - 1, 0)
    for dsc in lt:
        dsc.wait()
    at = fire_adds(0)
    for dsc in at:
        dsc.wait()

    plsc.subcore_barrier()
    pltpu.sync_copy(sh_cnt.at[pl.ds(s * ROWS_PT, ROWS_PT)],
                    cnts.at[c, pl.ds(s * ROWS_PT, ROWS_PT)])


@functools.cache
def _seg_cnts():
    return pl.kernel(
        _seg_cnts_body,
        out_type=jax.ShapeDtypeStruct((NC, N_SEG_P, D), jnp.float32),
        mesh=_mesh(),
        scratch_types=[pltpu.VMEM((SUB, D), jnp.float32),
                       [[pltpu.VMEM((SUB,), jnp.int32) for _ in range(S_NSUB)]
                        for _ in range(2)],
                       pltpu.VMEM_SHARED((N_SEG_P, D), jnp.float32),
                       [pltpu.SemaphoreType.DMA for _ in range(2)]],
    )


def _gather_body(tabflat, idxflatb, gg, g_vs, idx_vs, sems):
    c = lax.axis_index("c")
    s = lax.axis_index("s")

    def fire_loads(i, b):
        base = s * PER_TILE + i * GCHUNK
        return [pltpu.async_copy(
                    idxflatb.at[pl.ds(c * NNZ + base + j * SUB, SUB)],
                    idx_vs[b][j], sems[b]) for j in range(G_NSUB)]

    def fire_gats(b):
        return [pltpu.async_copy(tabflat.at[idx_vs[b][j]],
                                 g_vs[b].at[pl.ds(j * SUB, SUB)], sems[b])
                for j in range(G_NSUB)]

    def fire_store(i, b):
        base = s * PER_TILE + i * GCHUNK
        return pltpu.async_copy(g_vs[b], gg.at[c, pl.ds(base, GCHUNK)],
                                sems[b])

    @pl.loop(0, N_GCHUNK, step=2)
    def _pair(i):
        l0 = fire_loads(i, 0)
        for dsc in l0:
            dsc.wait()
        g0 = fire_gats(0)
        for dsc in g0:
            dsc.wait()
        st0 = fire_store(i, 0)
        l1 = fire_loads(i + 1, 1)
        for dsc in l1:
            dsc.wait()
        g1 = fire_gats(1)
        for dsc in g1:
            dsc.wait()
        st1 = fire_store(i + 1, 1)
        st0.wait()
        st1.wait()


@functools.cache
def _gather():
    return pl.kernel(
        _gather_body,
        out_type=jax.ShapeDtypeStruct((NC, NNZ, D), jnp.float32),
        mesh=_mesh(),
        scratch_types=[[pltpu.VMEM((GCHUNK, D), jnp.float32) for _ in range(2)],
                       [[pltpu.VMEM((SUB,), jnp.int32) for _ in range(G_NSUB)]
                        for _ in range(2)],
                       [pltpu.SemaphoreType.DMA for _ in range(2)]],
    )


def _tables_kernel(sums_ref, cnts_ref, w_ref, bias_ref, tab_ref):
    cnt_r = jnp.maximum(cnts_ref[0, :, 0:1], 1.0)
    cnt_c = jnp.maximum(cnts_ref[1, :, 0:1], 1.0)
    pooled_r = sums_ref[0] / cnt_r
    pooled_c = sums_ref[1] / cnt_c
    g = jnp.sum(sums_ref[0], axis=0, keepdims=True) * (1.0 / NNZ)
    gw = jnp.dot(g, w_ref[3], preferred_element_type=jnp.float32) + bias_ref[...]
    tab_ref[0] = jnp.dot(pooled_r, w_ref[1],
                         preferred_element_type=jnp.float32) + gw
    tab_ref[1] = jnp.dot(pooled_c, w_ref[2],
                         preferred_element_type=jnp.float32)


def _tables(sums, cnts, W, bias):
    return pl.pallas_call(
        _tables_kernel,
        out_shape=jax.ShapeDtypeStruct((NC, N_SEG_P, D), jnp.float32),
    )(sums, cnts, W, bias)


_FBLK = 2000


def _final_kernel(v_ref, g0_ref, g1_ref, w0_ref, out_ref):
    out_ref[...] = (jnp.dot(v_ref[...], w0_ref[...],
                            preferred_element_type=jnp.float32)
                    + g0_ref[0] + g1_ref[0])


def _final(values, gg, w0):
    return pl.pallas_call(
        _final_kernel,
        grid=(NNZ // _FBLK,),
        in_specs=[pl.BlockSpec((_FBLK, D), lambda i: (i, 0)),
                  pl.BlockSpec((1, _FBLK, D), lambda i: (0, i, 0)),
                  pl.BlockSpec((1, _FBLK, D), lambda i: (1, i, 0)),
                  pl.BlockSpec((D, D), lambda i: (0, 0))],
        out_specs=pl.BlockSpec((_FBLK, D), lambda i: (i, 0)),
        out_shape=jax.ShapeDtypeStruct((NNZ, D), jnp.float32),
    )(values, gg, gg, w0)


def kernel(values, row_idx, col_idx, W, bias):
    idxflat = jnp.concatenate([row_idx, col_idx])
    idxflatb = jnp.concatenate([row_idx, col_idx + N_SEG_P])
    zsum = jnp.zeros((N_SEG_P, D), jnp.float32)
    ones_in = jnp.ones((SUB, D), jnp.float32)
    sums = _seg_sums()(values, idxflat, zsum)
    cnts = _seg_cnts()(idxflat, zsum, ones_in)
    tabs = _tables(sums, cnts, W, bias)
    gg = _gather()(tabs.reshape(NC * N_SEG_P, D), idxflatb)
    return _final(values, gg, W[0])

# --- scband reference (transcript-rebuilt; emitter-appended) ---
"""Pipeline reference for scband-sparse-matrix-equivariant-layer-77060303225145 (READ-ONLY COPY).

The authoritative reference and input builder live on the scoring server;
editing this copy changes nothing except your own understanding.
"""

import jax, jax.numpy as jnp
import numpy as np

N_ROWS = 10000
N_COLS = 10000
NNZ = 320000
IN_DIM = 128
OUT_DIM = 128


def setup_inputs(seed: int = 0) -> dict:
    key = jax.random.key(seed)
    k1, k2, k3, k4 = jax.random.split(key, 4)
    values = jax.random.normal(k1, (NNZ, IN_DIM), dtype=jnp.float32)
    row_idx = jax.random.randint(k2, (NNZ,), 0, N_ROWS, dtype=jnp.int32)
    col_idx = jax.random.randint(k3, (NNZ,), 0, N_COLS, dtype=jnp.int32)
    stdv = 1.0 / np.sqrt(IN_DIM)
    W = jax.random.uniform(k4, (4, IN_DIM, OUT_DIM), dtype=jnp.float32, minval=-stdv, maxval=stdv)
    bias = jnp.zeros((1, OUT_DIM), dtype=jnp.float32)
    return {"values": values, "row_idx": row_idx, "col_idx": col_idx, "W": W, "bias": bias}


def reference(values, row_idx, col_idx, W, bias):
    # Single relation R(A, B) with distinct entities A != B; schema_out == schema,
    # so X_out shares X_in's sparsity pattern and the identity-intersection mask is
    # the full nnz set. For distinct entities the equivariant basis has exactly 4 ops:
    #  1) identity (gather_mask on full intersection + broadcast_from_mask)
    #  2) pool over col index (mean per row) -> broadcast along rows ('p_j' -> 'b_i')
    #  3) pool over row index (mean per col) -> broadcast along cols ('p_i' -> 'b_j')
    #  4) pool over both indices (global mean) -> broadcast to all nnz entries
    nnz = values.shape[0]
    ones = jnp.ones((nnz,), dtype=values.dtype)

    # op 1: identity intersection
    Y = values @ W[0]

    # op 2: mean-pool each row over its nonzeros, broadcast back by row index
    cnt_r = jax.ops.segment_sum(ones, row_idx, num_segments=N_ROWS)
    sum_r = jax.ops.segment_sum(values, row_idx, num_segments=N_ROWS)
    pooled_r = sum_r / jnp.maximum(cnt_r, 1.0)[:, None]
    Y = Y + jnp.take(pooled_r @ W[1], row_idx, axis=0)

    # op 3: mean-pool each column over its nonzeros, broadcast back by col index
    cnt_c = jax.ops.segment_sum(ones, col_idx, num_segments=N_COLS)
    sum_c = jax.ops.segment_sum(values, col_idx, num_segments=N_COLS)
    pooled_c = sum_c / jnp.maximum(cnt_c, 1.0)[:, None]
    Y = Y + jnp.take(pooled_c @ W[2], col_idx, axis=0)

    # op 4: global mean pool over all nonzeros, broadcast to every entry
    pooled_all = jnp.mean(values, axis=0)
    Y = Y + jnp.broadcast_to(pooled_all @ W[3], (nnz, OUT_DIM))

    # add_bias: entities differ and relation is not a set -> single bias row
    Y = Y + bias
    return Y

if __name__ == "__main__":
    import jax
    _d = setup_inputs()
    print(jax.jit(kernel)(*tuple(_d.values())))

</pallas_src>

<mosaic_0001>
#map = affine_map<(d0, d1) -> (0)>
#map1 = affine_map<(d0, d1) -> (0, 0)>
#map2 = affine_map<(d0, d1) -> (0, 0, 0)>
module attributes {stable_mosaic.version = 14 : i64} {
  func.func @_seg_cnts_body(%arg0: i32, %arg1: i32, %arg2: memref<640000xi32, #tpu.memory_space<hbm>>, %arg3: memref<10240x128xf32, #tpu.memory_space<hbm>>, %arg4: memref<80x128xf32, #tpu.memory_space<hbm>>, %arg5: memref<2x10240x128xf32, #tpu.memory_space<hbm>>, %arg6: memref<80x128xf32, #tpu.memory_space<vmem>>, %arg7: memref<80xi32, #tpu.memory_space<vmem>>, %arg8: memref<80xi32, #tpu.memory_space<vmem>>, %arg9: memref<80xi32, #tpu.memory_space<vmem>>, %arg10: memref<80xi32, #tpu.memory_space<vmem>>, %arg11: memref<10240x128xf32, #tpu.memory_space<vmem_shared>>, %arg12: memref<!tpu.dma_semaphore, #tpu.memory_space<semaphore_mem>>, %arg13: memref<!tpu.dma_semaphore, #tpu.memory_space<semaphore_mem>>) attributes {dimension_semantics = [#tpu.dimension_semantics<core_parallel>, #tpu.dimension_semantics<subcore_parallel>], iteration_bounds = array<i64: 2, 16>, scalar_prefetch = 0 : i64, scratch_operands = 8 : i64, tpu.core_type = #tpu.core_type<sc_vector_subcore>, window_params = [{transform_indices = #map}, {transform_indices = #map1}, {transform_indices = #map1}, {transform_indices = #map2}]} {
    "tpu.region"() ({
      %run_scoped3A = tpu.sem_alloc : memref<!tpu.dma_semaphore, #tpu.memory_space<semaphore_mem>>
      tpu.enqueue_dma source(%arg4 : memref<80x128xf32, #tpu.memory_space<hbm>>) target(%arg6 : memref<80x128xf32, #tpu.memory_space<vmem>>) target_semaphore(%run_scoped3A : memref<!tpu.dma_semaphore, #tpu.memory_space<semaphore_mem>>)
      tpu.wait_dma2 semaphore(%run_scoped3A : memref<!tpu.dma_semaphore, #tpu.memory_space<semaphore_mem>>) src(%arg4 : memref<80x128xf32, #tpu.memory_space<hbm>>) dst(%arg6 : memref<80x128xf32, #tpu.memory_space<vmem>>)
      tpu.yield
    }) : () -> ()
    %mul3A = arith.constant 640 : i32
    %mul3A_0 = arith.muli %arg1, %mul3A : i32
    %mul3A_1 = arith.constant 640 : i32
    %mul3A_2 = arith.muli %arg1, %mul3A_1 : i32
    "tpu.region"() ({
      %run_scoped3A = tpu.sem_alloc : memref<!tpu.dma_semaphore, #tpu.memory_space<semaphore_mem>>
      %dma_start3A_43 = arith.constant 0 : i32
      %dma_start3A_44 = tpu.memref_slice %arg11[%mul3A_2, %dma_start3A_43] : memref<10240x128xf32, #tpu.memory_space<vmem_shared>> -> memref<640x128xf32, #tpu.memory_space<vmem_shared>>
      %dma_start3A_45 = arith.constant 0 : i32
      %dma_start3A_46 = tpu.memref_slice %arg3[%mul3A_0, %dma_start3A_45] : memref<10240x128xf32, #tpu.memory_space<hbm>> -> memref<640x128xf32, #tpu.memory_space<hbm>>
      tpu.enqueue_dma source(%dma_start3A_46 : memref<640x128xf32, #tpu.memory_space<hbm>>) target(%dma_start3A_44 : memref<640x128xf32, #tpu.memory_space<vmem_shared>>) target_semaphore(%run_scoped3A : memref<!tpu.dma_semaphore, #tpu.memory_space<semaphore_mem>>)
      %dma_wait3A_47 = arith.constant 0 : i32
      %dma_wait3A_48 = tpu.memref_slice %arg11[%mul3A_2, %dma_wait3A_47] : memref<10240x128xf32, #tpu.memory_space<vmem_shared>> -> memref<640x128xf32, #tpu.memory_space<vmem_shared>>
      %dma_wait3A_49 = arith.constant 0 : i32
      %dma_wait3A_50 = tpu.memref_slice %arg3[%mul3A_0, %dma_wait3A_49] : memref<10240x128xf32, #tpu.memory_space<hbm>> -> memref<640x128xf32, #tpu.memory_space<hbm>>
      tpu.wait_dma2 semaphore(%run_scoped3A : memref<!tpu.dma_semaphore, #tpu.memory_space<semaphore_mem>>) src(%dma_wait3A_50 : memref<640x128xf32, #tpu.memory_space<hbm>>) dst(%dma_wait3A_48 : memref<640x128xf32, #tpu.memory_space<vmem_shared>>)
      tpu.yield
    }) : () -> ()
    %barrier3A = arith.constant 0 : index
    tpu.barrier barrier_id(%barrier3A)
    %scan3A = arith.constant 0 : i32
    %scan3A_3 = arith.constant 62 : i32
    %scan3A_4 = arith.addi %scan3A, %scan3A_3 : i32
    %scan3A_5 = arith.constant 1 : i32
    scf.for %scan3A_43 = %scan3A to %scan3A_4 step %scan3A_5  : i32 {
      %mul3A_44 = arith.constant 2 : i32
      %mul3A_45 = arith.muli %scan3A_43, %mul3A_44 : i32
      %add3A_46 = arith.constant 0 : i32
      %add3A_47 = arith.addi %add3A_46, %mul3A_45 : i32
      %mul3A_48 = arith.constant 20000 : i32
      %mul3A_49 = arith.muli %arg1, %mul3A_48 : i32
      %mul3A_50 = arith.constant 160 : i32
      %mul3A_51 = arith.muli %add3A_47, %mul3A_50 : i32
      %add3A_52 = arith.addi %mul3A_49, %mul3A_51 : i32
      %mul3A_53 = arith.constant 320000 : i32
      %mul3A_54 = arith.muli %arg0, %mul3A_53 : i32
      %add3A_55 = arith.addi %mul3A_54, %add3A_52 : i32
      %add3A_56 = arith.constant 0 : i32
      %add3A_57 = arith.addi %add3A_55, %add3A_56 : i32
      %dma_start3A_58 = tpu.memref_slice %arg2[%add3A_57] : memref<640000xi32, #tpu.memory_space<hbm>> -> memref<80xi32, #tpu.memory_space<hbm>>
      %dma_start3A_59 = tpu.memref_slice %arg2[%add3A_57] : memref<640000xi32, #tpu.memory_space<hbm>> -> memref<80xi32, #tpu.memory_space<hbm>>
      tpu.enqueue_dma source(%dma_start3A_59 : memref<80xi32, #tpu.memory_space<hbm>>) target(%arg7 : memref<80xi32, #tpu.memory_space<vmem>>) target_semaphore(%arg12 : memref<!tpu.dma_semaphore, #tpu.memory_space<semaphore_mem>>)
      %mul3A_60 = arith.constant 320000 : i32
      %mul3A_61 = arith.muli %arg0, %mul3A_60 : i32
      %add3A_62 = arith.addi %mul3A_61, %add3A_52 : i32
      %add3A_63 = arith.constant 80 : i32
      %add3A_64 = arith.addi %add3A_62, %add3A_63 : i32
      %dma_start3A_65 = tpu.memref_slice %arg2[%add3A_64] : memref<640000xi32, #tpu.memory_space<hbm>> -> memref<80xi32, #tpu.memory_space<hbm>>
      %dma_start3A_66 = tpu.memref_slice %arg2[%add3A_64] : memref<640000xi32, #tpu.memory_space<hbm>> -> memref<80xi32, #tpu.memory_space<hbm>>
      tpu.enqueue_dma source(%dma_start3A_66 : memref<80xi32, #tpu.memory_space<hbm>>) target(%arg8 : memref<80xi32, #tpu.memory_space<vmem>>) target_semaphore(%arg12 : memref<!tpu.dma_semaphore, #tpu.memory_space<semaphore_mem>>)
      %dma_wait3A_67 = tpu.memref_slice %arg2[%add3A_57] : memref<640000xi32, #tpu.memory_space<hbm>> -> memref<80xi32, #tpu.memory_space<hbm>>
      %dma_wait3A_68 = tpu.memref_slice %arg2[%add3A_57] : memref<640000xi32, #tpu.memory_space<hbm>> -> memref<80xi32, #tpu.memory_space<hbm>>
      tpu.wait_dma2 semaphore(%arg12 : memref<!tpu.dma_semaphore, #tpu.memory_space<semaphore_mem>>) src(%dma_wait3A_68 : memref<80xi32, #tpu.memory_space<hbm>>) dst(%arg7 : memref<80xi32, #tpu.memory_space<vmem>>)
      %dma_wait3A_69 = tpu.memref_slice %arg2[%add3A_64] : memref<640000xi32, #tpu.memory_space<hbm>> -> memref<80xi32, #tpu.memory_space<hbm>>
      %dma_wait3A_70 = tpu.memref_slice %arg2[%add3A_64] : memref<640000xi32, #tpu.memory_space<hbm>> -> memref<80xi32, #tpu.memory_space<hbm>>
      tpu.wait_dma2 semaphore(%arg12 : memref<!tpu.dma_semaphore, #tpu.memory_space<semaphore_mem>>) src(%dma_wait3A_70 : memref<80xi32, #tpu.memory_space<hbm>>) dst(%arg8 : memref<80xi32, #tpu.memory_space<vmem>>)
      %dma_start3A_71 = arith.constant 0 : i32
      %dma_start3A_72 = arith.constant 0 : i32
      %dma_start3A_73 = tpu.memref_slice %arg11[%dma_start3A_71, %dma_start3A_72] : memref<10240x128xf32, #tpu.memory_space<vmem_shared>> -> memref<10240x128xf32, #tpu.memory_space<vmem_shared>>
      tpu.enqueue_indirect_dma source(%arg6 : memref<80x128xf32, #tpu.memory_space<vmem>>) target(%dma_start3A_73 : memref<10240x128xf32, #tpu.memory_space<vmem_shared>>) offsets(%arg7 : memref<80xi32, #tpu.memory_space<vmem>>) semaphore(%arg12 : memref<!tpu.dma_semaphore, #tpu.memory_space<semaphore_mem>>) {add = true}
      %dma_start3A_74 = arith.constant 0 : i32
      %dma_start3A_75 = arith.constant 0 : i32
      %dma_start3A_76 = tpu.memref_slice %arg11[%dma_start3A_74, %dma_start3A_75] : memref<10240x128xf32, #tpu.memory_space<vmem_shared>> -> memref<10240x128xf32, #tpu.memory_space<vmem_shared>>
      tpu.enqueue_indirect_dma source(%arg6 : memref<80x128xf32, #tpu.memory_space<vmem>>) target(%dma_start3A_76 : memref<10240x128xf32, #tpu.memory_space<vmem_shared>>) offsets(%arg8 : memref<80xi32, #tpu.memory_space<vmem>>) semaphore(%arg12 : memref<!tpu.dma_semaphore, #tpu.memory_space<semaphore_mem>>) {add = true}
      %add3A_77 = arith.constant 1 : i32
      %add3A_78 = arith.addi %add3A_47, %add3A_77 : i32
      %mul3A_79 = arith.constant 20000 : i32
      %mul3A_80 = arith.muli %arg1, %mul3A_79 : i32
      %mul3A_81 = arith.constant 160 : i32
      %mul3A_82 = arith.muli %add3A_78, %mul3A_81 : i32
      %add3A_83 = arith.addi %mul3A_80, %mul3A_82 : i32
      %mul3A_84 = arith.constant 320000 : i32
      %mul3A_85 = arith.muli %arg0, %mul3A_84 : i32
      %add3A_86 = arith.addi %mul3A_85, %add3A_83 : i32
      %add3A_87 = arith.constant 0 : i32
      %add3A_88 = arith.addi %add3A_86, %add3A_87 : i32
      %dma_start3A_89 = tpu.memref_slice %arg2[%add3A_88] : memref<640000xi32, #tpu.memory_space<hbm>> -> memref<80xi32, #tpu.memory_space<hbm>>
      %dma_start3A_90 = tpu.memref_slice %arg2[%add3A_88] : memref<640000xi32, #tpu.memory_space<hbm>> -> memref<80xi32, #tpu.memory_space<hbm>>
      tpu.enqueue_dma source(%dma_start3A_90 : memref<80xi32, #tpu.memory_space<hbm>>) target(%arg9 : memref<80xi32, #tpu.memory_space<vmem>>) target_semaphore(%arg13 : memref<!tpu.dma_semaphore, #tpu.memory_space<semaphore_mem>>)
      %mul3A_91 = arith.constant 320000 : i32
      %mul3A_92 = arith.muli %arg0, %mul3A_91 : i32
      %add3A_93 = arith.addi %mul3A_92, %add3A_83 : i32
      %add3A_94 = arith.constant 80 : i32
      %add3A_95 = arith.addi %add3A_93, %add3A_94 : i32
      %dma_start3A_96 = tpu.memref_slice %arg2[%add3A_95] : memref<640000xi32, #tpu.memory_space<hbm>> -> memref<80xi32, #tpu.memory_space<hbm>>
      %dma_start3A_97 = tpu.memref_slice %arg2[%add3A_95] : memref<640000xi32, #tpu.memory_space<hbm>> -> memref<80xi32, #tpu.memory_space<hbm>>
      tpu.enqueue_dma source(%dma_start3A_97 : memref<80xi32, #tpu.memory_space<hbm>>) target(%arg10 : memref<80xi32, #tpu.memory_space<vmem>>) target_semaphore(%arg13 : memref<!tpu.dma_semaphore, #tpu.memory_space<semaphore_mem>>)
      %dma_wait3A_98 = arith.constant 0 : i32
      %dma_wait3A_99 = arith.constant 0 : i32
      %dma_wait3A_100 = tpu.memref_slice %arg11[%dma_wait3A_98, %dma_wait3A_99] : memref<10240x128xf32, #tpu.memory_space<vmem_shared>> -> memref<10240x128xf32, #tpu.memory_space<vmem_shared>>
      tpu.wait_indirect_dma semaphore(%arg12 : memref<!tpu.dma_semaphore, #tpu.memory_space<semaphore_mem>>) src(%arg6 : memref<80x128xf32, #tpu.memory_space<vmem>>) dst(%dma_wait3A_100 : memref<10240x128xf32, #tpu.memory_space<vmem_shared>>)
      %dma_wait3A_101 = arith.constant 0 : i32
      %dma_wait3A_102 = arith.constant 0 : i32
      %dma_wait3A_103 = tpu.memref_slice %arg11[%dma_wait3A_101, %dma_wait3A_102] : memref<10240x128xf32, #tpu.memory_space<vmem_shared>> -> memref<10240x128xf32, #tpu.memory_space<vmem_shared>>
      tpu.wait_indirect_dma semaphore(%arg12 : memref<!tpu.dma_semaphore, #tpu.memory_space<semaphore_mem>>) src(%arg6 : memref<80x128xf32, #tpu.memory_space<vmem>>) dst(%dma_wait3A_103 : memref<10240x128xf32, #tpu.memory_space<vmem_shared>>)
      %dma_wait3A_104 = tpu.memref_slice %arg2[%add3A_88] : memref<640000xi32, #tpu.memory_space<hbm>> -> memref<80xi32, #tpu.memory_space<hbm>>
      %dma_wait3A_105 = tpu.memref_slice %arg2[%add3A_88] : memref<640000xi32, #tpu.memory_space<hbm>> -> memref<80xi32, #tpu.memory_space<hbm>>
      tpu.wait_dma2 semaphore(%arg13 : memref<!tpu.dma_semaphore, #tpu.memory_space<semaphore_mem>>) src(%dma_wait3A_105 : memref<80xi32, #tpu.memory_space<hbm>>) dst(%arg9 : memref<80xi32, #tpu.memory_space<vmem>>)
      %dma_wait3A_106 = tpu.memref_slice %arg2[%add3A_95] : memref<640000xi32, #tpu.memory_space<hbm>> -> memref<80xi32, #tpu.memory_space<hbm>>
      %dma_wait3A_107 = tpu.memref_slice %arg2[%add3A_95] : memref<640000xi32, #tpu.memory_space<hbm>> -> memref<80xi32, #tpu.memory_space<hbm>>
      tpu.wait_dma2 semaphore(%arg13 : memref<!tpu.dma_semaphore, #tpu.memory_space<semaphore_mem>>) src(%dma_wait3A_107 : memref<80xi32, #tpu.memory_space<hbm>>) dst(%arg10 : memref<80xi32, #tpu.memory_space<vmem>>)
      %dma_start3A_108 = arith.constant 0 : i32
      %dma_start3A_109 = arith.constant 0 : i32
      %dma_start3A_110 = tpu.memref_slice %arg11[%dma_start3A_108, %dma_start3A_109] : memref<10240x128xf32, #tpu.memory_space<vmem_shared>> -> memref<10240x128xf32, #tpu.memory_space<vmem_shared>>
      tpu.enqueue_indirect_dma source(%arg6 : memref<80x128xf32, #tpu.memory_space<vmem>>) target(%dma_start3A_110 : memref<10240x128xf32, #tpu.memory_space<vmem_shared>>) offsets(%arg9 : memref<80xi32, #tpu.memory_space<vmem>>) semaphore(%arg13 : memref<!tpu.dma_semaphore, #tpu.memory_space<semaphore_mem>>) {add = true}
      %dma_start3A_111 = arith.constant 0 : i32
      %dma_start3A_112 = arith.constant 0 : i32
      %dma_start3A_113 = tpu.memref_slice %arg11[%dma_start3A_111, %dma_start3A_112] : memref<10240x128xf32, #tpu.memory_space<vmem_shared>> -> memref<10240x128xf32, #tpu.memory_space<vmem_shared>>
      tpu.enqueue_indirect_dma source(%arg6 : memref<80x128xf32, #tpu.memory_space<vmem>>) target(%dma_start3A_113 : memref<10240x128xf32, #tpu.memory_space<vmem_shared>>) offsets(%arg10 : memref<80xi32, #tpu.memory_space<vmem>>) semaphore(%arg13 : memref<!tpu.dma_semaphore, #tpu.memory_space<semaphore_mem>>) {add = true}
      %dma_wait3A_114 = arith.constant 0 : i32
      %dma_wait3A_115 = arith.constant 0 : i32
      %dma_wait3A_116 = tpu.memref_slice %arg11[%dma_wait3A_114, %dma_wait3A_115] : memref<10240x128xf32, #tpu.memory_space<vmem_shared>> -> memref<10240x128xf32, #tpu.memory_space<vmem_shared>>
      tpu.wait_indirect_dma semaphore(%arg13 : memref<!tpu.dma_semaphore, #tpu.memory_space<semaphore_mem>>) src(%arg6 : memref<80x128xf32, #tpu.memory_space<vmem>>) dst(%dma_wait3A_116 : memref<10240x128xf32, #tpu.memory_space<vmem_shared>>)
      %dma_wait3A_117 = arith.constant 0 : i32
      %dma_wait3A_118 = arith.constant 0 : i32
      %dma_wait3A_119 = tpu.memref_slice %arg11[%dma_wait3A_117, %dma_wait3A_118] : memref<10240x128xf32, #tpu.memory_space<vmem_shared>> -> memref<10240x128xf32, #tpu.memory_space<vmem_shared>>
      tpu.wait_indirect_dma semaphore(%arg13 : memref<!tpu.dma_semaphore, #tpu.memory_space<semaphore_mem>>) src(%arg6 : memref<80x128xf32, #tpu.memory_space<vmem>>) dst(%dma_wait3A_119 : memref<10240x128xf32, #tpu.memory_space<vmem_shared>>)
    }
    %scan3A_6 = arith.constant 62 : i32
    %mul3A_7 = arith.constant 20000 : i32
    %mul3A_8 = arith.muli %arg1, %mul3A_7 : i32
    %add3A = arith.constant 19840 : i32
    %add3A_9 = arith.addi %mul3A_8, %add3A : i32
    %mul3A_10 = arith.constant 320000 : i32
    %mul3A_11 = arith.muli %arg0, %mul3A_10 : i32
    %add3A_12 = arith.addi %mul3A_11, %add3A_9 : i32
    %add3A_13 = arith.constant 0 : i32
    %add3A_14 = arith.addi %add3A_12, %add3A_13 : i32
    %dma_start3A = tpu.memref_slice %arg2[%add3A_14] : memref<640000xi32, #tpu.memory_space<hbm>> -> memref<80xi32, #tpu.memory_space<hbm>>
    %dma_start3A_15 = tpu.memref_slice %arg2[%add3A_14] : memref<640000xi32, #tpu.memory_space<hbm>> -> memref<80xi32, #tpu.memory_space<hbm>>
    tpu.enqueue_dma source(%dma_start3A_15 : memref<80xi32, #tpu.memory_space<hbm>>) target(%arg7 : memref<80xi32, #tpu.memory_space<vmem>>) target_semaphore(%arg12 : memref<!tpu.dma_semaphore, #tpu.memory_space<semaphore_mem>>)
    %mul3A_16 = arith.constant 320000 : i32
    %mul3A_17 = arith.muli %arg0, %mul3A_16 : i32
    %add3A_18 = arith.addi %mul3A_17, %add3A_9 : i32
    %add3A_19 = arith.constant 80 : i32
    %add3A_20 = arith.addi %add3A_18, %add3A_19 : i32
    %dma_start3A_21 = tpu.memref_slice %arg2[%add3A_20] : memref<640000xi32, #tpu.memory_space<hbm>> -> memref<80xi32, #tpu.memory_space<hbm>>
    %dma_start3A_22 = tpu.memref_slice %arg2[%add3A_20] : memref<640000xi32, #tpu.memory_space<hbm>> -> memref<80xi32, #tpu.memory_space<hbm>>
    tpu.enqueue_dma source(%dma_start3A_22 : memref<80xi32, #tpu.memory_space<hbm>>) target(%arg8 : memref<80xi32, #tpu.memory_space<vmem>>) target_semaphore(%arg12 : memref<!tpu.dma_semaphore, #tpu.memory_space<semaphore_mem>>)
    %dma_wait3A = tpu.memref_slice %arg2[%add3A_14] : memref<640000xi32, #tpu.memory_space<hbm>> -> memref<80xi32, #tpu.memory_space<hbm>>
    %dma_wait3A_23 = tpu.memref_slice %arg2[%add3A_14] : memref<640000xi32, #tpu.memory_space<hbm>> -> memref<80xi32, #tpu.memory_space<hbm>>
    tpu.wait_dma2 semaphore(%arg12 : memref<!tpu.dma_semaphore, #tpu.memory_space<semaphore_mem>>) src(%dma_wait3A_23 : memref<80xi32, #tpu.memory_space<hbm>>) dst(%arg7 : memref<80xi32, #tpu.memory_space<vmem>>)
    %dma_wait3A_24 = tpu.memref_slice %arg2[%add3A_20] : memref<640000xi32, #tpu.memory_space<hbm>> -> memref<80xi32, #tpu.memory_space<hbm>>
    %dma_wait3A_25 = tpu.memref_slice %arg2[%add3A_20] : memref<640000xi32, #tpu.memory_space<hbm>> -> memref<80xi32, #tpu.memory_space<hbm>>
    tpu.wait_dma2 semaphore(%arg12 : memref<!tpu.dma_semaphore, #tpu.memory_space<semaphore_mem>>) src(%dma_wait3A_25 : memref<80xi32, #tpu.memory_space<hbm>>) dst(%arg8 : memref<80xi32, #tpu.memory_space<vmem>>)
    %dma_start3A_26 = arith.constant 0 : i32
    %dma_start3A_27 = arith.constant 0 : i32
    %dma_start3A_28 = tpu.memref_slice %arg11[%dma_start3A_26, %dma_start3A_27] : memref<10240x128xf32, #tpu.memory_space<vmem_shared>> -> memref<10240x128xf32, #tpu.memory_space<vmem_shared>>
    tpu.enqueue_indirect_dma source(%arg6 : memref<80x128xf32, #tpu.memory_space<vmem>>) target(%dma_start3A_28 : memref<10240x128xf32, #tpu.memory_space<vmem_shared>>) offsets(%arg7 : memref<80xi32, #tpu.memory_space<vmem>>) semaphore(%arg12 : memref<!tpu.dma_semaphore, #tpu.memory_space<semaphore_mem>>) {add = true}
    %dma_start3A_29 = arith.constant 0 : i32
    %dma_start3A_30 = arith.constant 0 : i32
    %dma_start3A_31 = tpu.memref_slice %arg11[%dma_start3A_29, %dma_start3A_30] : memref<10240x128xf32, #tpu.memory_space<vmem_shared>> -> memref<10240x128xf32, #tpu.memory_space<vmem_shared>>
    tpu.enqueue_indirect_dma source(%arg6 : memref<80x128xf32, #tpu.memory_space<vmem>>) target(%dma_start3A_31 : memref<10240x128xf32, #tpu.memory_space<vmem_shared>>) offsets(%arg8 : memref<80xi32, #tpu.memory_space<vmem>>) semaphore(%arg12 : memref<!tpu.dma_semaphore, #tpu.memory_space<semaphore_mem>>) {add = true}
    %dma_wait3A_32 = arith.constant 0 : i32
    %dma_wait3A_33 = arith.constant 0 : i32
    %dma_wait3A_34 = tpu.memref_slice %arg11[%dma_wait3A_32, %dma_wait3A_33] : memref<10240x128xf32, #tpu.memory_space<vmem_shared>> -> memref<10240x128xf32, #tpu.memory_space<vmem_shared>>
    tpu.wait_indirect_dma semaphore(%arg12 : memref<!tpu.dma_semaphore, #tpu.memory_space<semaphore_mem>>) src(%arg6 : memref<80x128xf32, #tpu.memory_space<vmem>>) dst(%dma_wait3A_34 : memref<10240x128xf32, #tpu.memory_space<vmem_shared>>)
    %dma_wait3A_35 = arith.constant 0 : i32
    %dma_wait3A_36 = arith.constant 0 : i32
    %dma_wait3A_37 = tpu.memref_slice %arg11[%dma_wait3A_35, %dma_wait3A_36] : memref<10240x128xf32, #tpu.memory_space<vmem_shared>> -> memref<10240x128xf32, #tpu.memory_space<vmem_shared>>
    tpu.wait_indirect_dma semaphore(%arg12 : memref<!tpu.dma_semaphore, #tpu.memory_space<semaphore_mem>>) src(%arg6 : memref<80x128xf32, #tpu.memory_space<vmem>>) dst(%dma_wait3A_37 : memref<10240x128xf32, #tpu.memory_space<vmem_shared>>)
    %barrier3A_38 = arith.constant 0 : index
    tpu.barrier barrier_id(%barrier3A_38)
    %mul3A_39 = arith.constant 640 : i32
    %mul3A_40 = arith.muli %arg1, %mul3A_39 : i32
    %mul3A_41 = arith.constant 640 : i32
    %mul3A_42 = arith.muli %arg1, %mul3A_41 : i32
    "tpu.region"() ({
      %run_scoped3A = tpu.sem_alloc : memref<!tpu.dma_semaphore, #tpu.memory_space<semaphore_mem>>
      %dma_start3A_43 = arith.constant 0 : i32
      %dma_start3A_44 = tpu.memref_slice %arg5[%arg0, %mul3A_42, %dma_start3A_43] : memref<2x10240x128xf32, #tpu.memory_space<hbm>> -> memref<1x640x128xf32, #tpu.memory_space<hbm>>
      %dma_start3A_45 = tpu.memref_squeeze %dma_start3A_44 : memref<1x640x128xf32, #tpu.memory_space<hbm>> -> memref<640x128xf32, #tpu.memory_space<hbm>>
      %dma_start3A_46 = arith.constant 0 : i32
      %dma_start3A_47 = tpu.memref_slice %arg11[%mul3A_40, %dma_start3A_46] : memref<10240x128xf32, #tpu.memory_space<vmem_shared>> -> memref<640x128xf32, #tpu.memory_space<vmem_shared>>
      tpu.enqueue_dma source(%dma_start3A_47 : memref<640x128xf32, #tpu.memory_space<vmem_shared>>) target(%dma_start3A_45 : memref<640x128xf32, #tpu.memory_space<hbm>>) target_semaphore(%run_scoped3A : memref<!tpu.dma_semaphore, #tpu.memory_space<semaphore_mem>>)
      %dma_wait3A_48 = arith.constant 0 : i32
      %dma_wait3A_49 = tpu.memref_slice %arg5[%arg0, %mul3A_42, %dma_wait3A_48] : memref<2x10240x128xf32, #tpu.memory_space<hbm>> -> memref<1x640x128xf32, #tpu.memory_space<hbm>>
      %dma_wait3A_50 = tpu.memref_squeeze %dma_wait3A_49 : memref<1x640x128xf32, #tpu.memory_space<hbm>> -> memref<640x128xf32, #tpu.memory_space<hbm>>
      %dma_wait3A_51 = arith.constant 0 : i32
      %dma_wait3A_52 = tpu.memref_slice %arg11[%mul3A_40, %dma_wait3A_51] : memref<10240x128xf32, #tpu.memory_space<vmem_shared>> -> memref<640x128xf32, #tpu.memory_space<vmem_shared>>
      tpu.wait_dma2 semaphore(%run_scoped3A : memref<!tpu.dma_semaphore, #tpu.memory_space<semaphore_mem>>) src(%dma_wait3A_52 : memref<640x128xf32, #tpu.memory_space<vmem_shared>>) dst(%dma_wait3A_50 : memref<640x128xf32, #tpu.memory_space<hbm>>)
      tpu.yield
    }) : () -> ()
    return
  }
}

#map = affine_map<(d0, d1) -> (0, 0)>
#map1 = affine_map<(d0, d1) -> (0)>
#map2 = affine_map<(d0, d1) -> (0, 0, 0)>
module attributes {stable_mosaic.version = 14 : i64} {
  func.func @_seg_sums_body(%arg0: i32, %arg1: i32, %arg2: memref<320000x128xf32, #tpu.memory_space<hbm>>, %arg3: memref<640000xi32, #tpu.memory_space<hbm>>, %arg4: memref<10240x128xf32, #tpu.memory_space<hbm>>, %arg5: memref<2x10240x128xf32, #tpu.memory_space<hbm>>, %arg6: memref<160x128xf32, #tpu.memory_space<vmem>>, %arg7: memref<160x128xf32, #tpu.memory_space<vmem>>, %arg8: memref<80xi32, #tpu.memory_space<vmem>>, %arg9: memref<80xi32, #tpu.memory_space<vmem>>, %arg10: memref<80xi32, #tpu.memory_space<vmem>>, %arg11: memref<80xi32, #tpu.memory_space<vmem>>, %arg12: memref<10240x128xf32, #tpu.memory_space<vmem_shared>>, %arg13: memref<!tpu.dma_semaphore, #tpu.memory_space<semaphore_mem>>, %arg14: memref<!tpu.dma_semaphore, #tpu.memory_space<semaphore_mem>>) attributes {dimension_semantics = [#tpu.dimension_semantics<core_parallel>, #tpu.dimension_semantics<subcore_parallel>], iteration_bounds = array<i64: 2, 16>, scalar_prefetch = 0 : i64, scratch_operands = 9 : i64, tpu.core_type = #tpu.core_type<sc_vector_subcore>, window_params = [{transform_indices = #map}, {transform_indices = #map1}, {transform_indices = #map}, {transform_indices = #map2}]} {
    %mul3A = arith.constant 640 : i32
    %mul3A_0 = arith.muli %arg1, %mul3A : i32
    %mul3A_1 = arith.constant 640 : i32
    %mul3A_2 = arith.muli %arg1, %mul3A_1 : i32
    "tpu.region"() ({
      %run_scoped3A = tpu.sem_alloc : memref<!tpu.dma_semaphore, #tpu.memory_space<semaphore_mem>>
      %dma_start3A_63 = arith.constant 0 : i32
      %dma_start3A_64 = tpu.memref_slice %arg12[%mul3A_2, %dma_start3A_63] : memref<10240x128xf32, #tpu.memory_space<vmem_shared>> -> memref<640x128xf32, #tpu.memory_space<vmem_shared>>
      %dma_start3A_65 = arith.constant 0 : i32
      %dma_start3A_66 = tpu.memref_slice %arg4[%mul3A_0, %dma_start3A_65] : memref<10240x128xf32, #tpu.memory_space<hbm>> -> memref<640x128xf32, #tpu.memory_space<hbm>>
      tpu.enqueue_dma source(%dma_start3A_66 : memref<640x128xf32, #tpu.memory_space<hbm>>) target(%dma_start3A_64 : memref<640x128xf32, #tpu.memory_space<vmem_shared>>) target_semaphore(%run_scoped3A : memref<!tpu.dma_semaphore, #tpu.memory_space<semaphore_mem>>)
      %dma_wait3A_67 = arith.constant 0 : i32
      %dma_wait3A_68 = tpu.memref_slice %arg12[%mul3A_2, %dma_wait3A_67] : memref<10240x128xf32, #tpu.memory_space<vmem_shared>> -> memref<640x128xf32, #tpu.memory_space<vmem_shared>>
      %dma_wait3A_69 = arith.constant 0 : i32
      %dma_wait3A_70 = tpu.memref_slice %arg4[%mul3A_0, %dma_wait3A_69] : memref<10240x128xf32, #tpu.memory_space<hbm>> -> memref<640x128xf32, #tpu.memory_space<hbm>>
      tpu.wait_dma2 semaphore(%run_scoped3A : memref<!tpu.dma_semaphore, #tpu.memory_space<semaphore_mem>>) src(%dma_wait3A_70 : memref<640x128xf32, #tpu.memory_space<hbm>>) dst(%dma_wait3A_68 : memref<640x128xf32, #tpu.memory_space<vmem_shared>>)
      tpu.yield
    }) : () -> ()
    %barrier3A = arith.constant 0 : index
    tpu.barrier barrier_id(%barrier3A)
    %scan3A = arith.constant 0 : i32
    %scan3A_3 = arith.constant 62 : i32
    %scan3A_4 = arith.addi %scan3A, %scan3A_3 : i32
    %scan3A_5 = arith.constant 1 : i32
    scf.for %scan3A_63 = %scan3A to %scan3A_4 step %scan3A_5  : i32 {
      %mul3A_64 = arith.constant 2 : i32
      %mul3A_65 = arith.muli %scan3A_63, %mul3A_64 : i32
      %add3A_66 = arith.constant 0 : i32
      %add3A_67 = arith.addi %add3A_66, %mul3A_65 : i32
      %mul3A_68 = arith.constant 20000 : i32
      %mul3A_69 = arith.muli %arg1, %mul3A_68 : i32
      %mul3A_70 = arith.constant 160 : i32
      %mul3A_71 = arith.muli %add3A_67, %mul3A_70 : i32
      %add3A_72 = arith.addi %mul3A_69, %mul3A_71 : i32
      %mul3A_73 = arith.constant 320000 : i32
      %mul3A_74 = arith.muli %arg0, %mul3A_73 : i32
      %add3A_75 = arith.addi %mul3A_74, %add3A_72 : i32
      %add3A_76 = arith.constant 0 : i32
      %add3A_77 = arith.addi %add3A_75, %add3A_76 : i32
      %dma_start3A_78 = tpu.memref_slice %arg3[%add3A_77] : memref<640000xi32, #tpu.memory_space<hbm>> -> memref<80xi32, #tpu.memory_space<hbm>>
      %dma_start3A_79 = tpu.memref_slice %arg3[%add3A_77] : memref<640000xi32, #tpu.memory_space<hbm>> -> memref<80xi32, #tpu.memory_space<hbm>>
      tpu.enqueue_dma source(%dma_start3A_79 : memref<80xi32, #tpu.memory_space<hbm>>) target(%arg8 : memref<80xi32, #tpu.memory_space<vmem>>) target_semaphore(%arg13 : memref<!tpu.dma_semaphore, #tpu.memory_space<semaphore_mem>>)
      %mul3A_80 = arith.constant 320000 : i32
      %mul3A_81 = arith.muli %arg0, %mul3A_80 : i32
      %add3A_82 = arith.addi %mul3A_81, %add3A_72 : i32
      %add3A_83 = arith.constant 80 : i32
      %add3A_84 = arith.addi %add3A_82, %add3A_83 : i32
      %dma_start3A_85 = tpu.memref_slice %arg3[%add3A_84] : memref<640000xi32, #tpu.memory_space<hbm>> -> memref<80xi32, #tpu.memory_space<hbm>>
      %dma_start3A_86 = tpu.memref_slice %arg3[%add3A_84] : memref<640000xi32, #tpu.memory_space<hbm>> -> memref<80xi32, #tpu.memory_space<hbm>>
      tpu.enqueue_dma source(%dma_start3A_86 : memref<80xi32, #tpu.memory_space<hbm>>) target(%arg9 : memref<80xi32, #tpu.memory_space<vmem>>) target_semaphore(%arg13 : memref<!tpu.dma_semaphore, #tpu.memory_space<semaphore_mem>>)
      %dma_start3A_87 = arith.constant 0 : i32
      %dma_start3A_88 = tpu.memref_slice %arg2[%add3A_72, %dma_start3A_87] : memref<320000x128xf32, #tpu.memory_space<hbm>> -> memref<160x128xf32, #tpu.memory_space<hbm>>
      %dma_start3A_89 = arith.constant 0 : i32
      %dma_start3A_90 = tpu.memref_slice %arg2[%add3A_72, %dma_start3A_89] : memref<320000x128xf32, #tpu.memory_space<hbm>> -> memref<160x128xf32, #tpu.memory_space<hbm>>
      tpu.enqueue_dma source(%dma_start3A_90 : memref<160x128xf32, #tpu.memory_space<hbm>>) target(%arg6 : memref<160x128xf32, #tpu.memory_space<vmem>>) target_semaphore(%arg13 : memref<!tpu.dma_semaphore, #tpu.memory_space<semaphore_mem>>)
      %dma_wait3A_91 = tpu.memref_slice %arg3[%add3A_77] : memref<640000xi32, #tpu.memory_space<hbm>> -> memref<80xi32, #tpu.memory_space<hbm>>
      %dma_wait3A_92 = tpu.memref_slice %arg3[%add3A_77] : memref<640000xi32, #tpu.memory_space<hbm>> -> memref<80xi32, #tpu.memory_space<hbm>>
      tpu.wait_dma2 semaphore(%arg13 : memref<!tpu.dma_semaphore, #tpu.memory_space<semaphore_mem>>) src(%dma_wait3A_92 : memref<80xi32, #tpu.memory_space<hbm>>) dst(%arg8 : memref<80xi32, #tpu.memory_space<vmem>>)
      %dma_wait3A_93 = tpu.memref_slice %arg3[%add3A_84] : memref<640000xi32, #tpu.memory_space<hbm>> -> memref<80xi32, #tpu.memory_space<hbm>>
      %dma_wait3A_94 = tpu.memref_slice %arg3[%add3A_84] : memref<640000xi32, #tpu.memory_space<hbm>> -> memref<80xi32, #tpu.memory_space<hbm>>
      tpu.wait_dma2 semaphore(%arg13 : memref<!tpu.dma_semaphore, #tpu.memory_space<semaphore_mem>>) src(%dma_wait3A_94 : memref<80xi32, #tpu.memory_space<hbm>>) dst(%arg9 : memref<80xi32, #tpu.memory_space<vmem>>)
      %dma_wait3A_95 = arith.constant 0 : i32
      %dma_wait3A_96 = tpu.memref_slice %arg2[%add3A_72, %dma_wait3A_95] : memref<320000x128xf32, #tpu.memory_space<hbm>> -> memref<160x128xf32, #tpu.memory_space<hbm>>
      %dma_wait3A_97 = arith.constant 0 : i32
      %dma_wait3A_98 = tpu.memref_slice %arg2[%add3A_72, %dma_wait3A_97] : memref<320000x128xf32, #tpu.memory_space<hbm>> -> memref<160x128xf32, #tpu.memory_space<hbm>>
      tpu.wait_dma2 semaphore(%arg13 : memref<!tpu.dma_semaphore, #tpu.memory_space<semaphore_mem>>) src(%dma_wait3A_98 : memref<160x128xf32, #tpu.memory_space<hbm>>) dst(%arg6 : memref<160x128xf32, #tpu.memory_space<vmem>>)
      %dma_start3A_99 = arith.constant 0 : i32
      %dma_start3A_100 = arith.constant 0 : i32
      %dma_start3A_101 = tpu.memref_slice %arg6[%dma_start3A_99, %dma_start3A_100] : memref<160x128xf32, #tpu.memory_space<vmem>> -> memref<80x128xf32, #tpu.memory_space<vmem>>
      %dma_start3A_102 = arith.constant 0 : i32
      %dma_start3A_103 = arith.constant 0 : i32
      %dma_start3A_104 = tpu.memref_slice %arg12[%dma_start3A_102, %dma_start3A_103] : memref<10240x128xf32, #tpu.memory_space<vmem_shared>> -> memref<10240x128xf32, #tpu.memory_space<vmem_shared>>
      tpu.enqueue_indirect_dma source(%dma_start3A_101 : memref<80x128xf32, #tpu.memory_space<vmem>>) target(%dma_start3A_104 : memref<10240x128xf32, #tpu.memory_space<vmem_shared>>) offsets(%arg8 : memref<80xi32, #tpu.memory_space<vmem>>) semaphore(%arg13 : memref<!tpu.dma_semaphore, #tpu.memory_space<semaphore_mem>>) {add = true}
      %dma_start3A_105 = arith.constant 80 : i32
      %dma_start3A_106 = arith.constant 0 : i32
      %dma_start3A_107 = tpu.memref_slice %arg6[%dma_start3A_105, %dma_start3A_106] : memref<160x128xf32, #tpu.memory_space<vmem>> -> memref<80x128xf32, #tpu.memory_space<vmem>>
      %dma_start3A_108 = arith.constant 0 : i32
      %dma_start3A_109 = arith.constant 0 : i32
      %dma_start3A_110 = tpu.memref_slice %arg12[%dma_start3A_108, %dma_start3A_109] : memref<10240x128xf32, #tpu.memory_space<vmem_shared>> -> memref<10240x128xf32, #tpu.memory_space<vmem_shared>>
      tpu.enqueue_indirect_dma source(%dma_start3A_107 : memref<80x128xf32, #tpu.memory_space<vmem>>) target(%dma_start3A_110 : memref<10240x128xf32, #tpu.memory_space<vmem_shared>>) offsets(%arg9 : memref<80xi32, #tpu.memory_space<vmem>>) semaphore(%arg13 : memref<!tpu.dma_semaphore, #tpu.memory_space<semaphore_mem>>) {add = true}
      %add3A_111 = arith.constant 1 : i32
      %add3A_112 = arith.addi %add3A_67, %add3A_111 : i32
      %mul3A_113 = arith.constant 20000 : i32
      %mul3A_114 = arith.muli %arg1, %mul3A_113 : i32
      %mul3A_115 = arith.constant 160 : i32
      %mul3A_116 = arith.muli %add3A_112, %mul3A_115 : i32
      %add3A_117 = arith.addi %mul3A_114, %mul3A_116 : i32
      %mul3A_118 = arith.constant 320000 : i32
      %mul3A_119 = arith.muli %arg0, %mul3A_118 : i32
      %add3A_120 = arith.addi %mul3A_119, %add3A_117 : i32
      %add3A_121 = arith.constant 0 : i32
      %add3A_122 = arith.addi %add3A_120, %add3A_121 : i32
      %dma_start3A_123 = tpu.memref_slice %arg3[%add3A_122] : memref<640000xi32, #tpu.memory_space<hbm>> -> memref<80xi32, #tpu.memory_space<hbm>>
      %dma_start3A_124 = tpu.memref_slice %arg3[%add3A_122] : memref<640000xi32, #tpu.memory_space<hbm>> -> memref<80xi32, #tpu.memory_space<hbm>>
      tpu.enqueue_dma source(%dma_start3A_124 : memref<80xi32, #tpu.memory_space<hbm>>) target(%arg10 : memref<80xi32, #tpu.memory_space<vmem>>) target_semaphore(%arg14 : memref<!tpu.dma_semaphore, #tpu.memory_space<semaphore_mem>>)
      %mul3A_125 = arith.constant 320000 : i32
      %mul3A_126 = arith.muli %arg0, %mul3A_125 : i32
      %add3A_127 = arith.addi %mul3A_126, %add3A_117 : i32
      %add3A_128 = arith.constant 80 : i32
      %add3A_129 = arith.addi %add3A_127, %add3A_128 : i32
      %dma_start3A_130 = tpu.memref_slice %arg3[%add3A_129] : memref<640000xi32, #tpu.memory_space<hbm>> -> memref<80xi32, #tpu.memory_space<hbm>>
      %dma_start3A_131 = tpu.memref_slice %arg3[%add3A_129] : memref<640000xi32, #tpu.memory_space<hbm>> -> memref<80xi32, #tpu.memory_space<hbm>>
      tpu.enqueue_dma source(%dma_start3A_131 : memref<80xi32, #tpu.memory_space<hbm>>) target(%arg11 : memref<80xi32, #tpu.memory_space<vmem>>) target_semaphore(%arg14 : memref<!tpu.dma_semaphore, #tpu.memory_space<semaphore_mem>>)
      %dma_start3A_132 = arith.constant 0 : i32
      %dma_start3A_133 = tpu.memref_slice %arg2[%add3A_117, %dma_start3A_132] : memref<320000x128xf32, #tpu.memory_space<hbm>> -> memref<160x128xf32, #tpu.memory_space<hbm>>
      %dma_start3A_134 = arith.constant 0 : i32
      %dma_start3A_135 = tpu.memref_slice %arg2[%add3A_117, %dma_start3A_134] : memref<320000x128xf32, #tpu.memory_space<hbm>> -> memref<160x128xf32, #tpu.memory_space<hbm>>
      tpu.enqueue_dma source(%dma_start3A_135 : memref<160x128xf32, #tpu.memory_space<hbm>>) target(%arg7 : memref<160x128xf32, #tpu.memory_space<vmem>>) target_semaphore(%arg14 : memref<!tpu.dma_semaphore, #tpu.memory_space<semaphore_mem>>)
      %dma_wait3A_136 = arith.constant 0 : i32
      %dma_wait3A_137 = arith.constant 0 : i32
      %dma_wait3A_138 = tpu.memref_slice %arg6[%dma_wait3A_136, %dma_wait3A_137] : memref<160x128xf32, #tpu.memory_space<vmem>> -> memref<80x128xf32, #tpu.memory_space<vmem>>
      %dma_wait3A_139 = arith.constant 0 : i32
      %dma_wait3A_140 = arith.constant 0 : i32
      %dma_wait3A_141 = tpu.memref_slice %arg12[%dma_wait3A_139, %dma_wait3A_140] : memref<10240x128xf32, #tpu.memory_space<vmem_shared>> -> memref<10240x128xf32, #tpu.memory_space<vmem_shared>>
      tpu.wait_indirect_dma semaphore(%arg13 : memref<!tpu.dma_semaphore, #tpu.memory_space<semaphore_mem>>) src(%dma_wait3A_138 : memref<80x128xf32, #tpu.memory_space<vmem>>) dst(%dma_wait3A_141 : memref<10240x128xf32, #tpu.memory_space<vmem_shared>>)
      %dma_wait3A_142 = arith.constant 80 : i32
      %dma_wait3A_143 = arith.constant 0 : i32
      %dma_wait3A_144 = tpu.memref_slice %arg6[%dma_wait3A_142, %dma_wait3A_143] : memref<160x128xf32, #tpu.memory_space<vmem>> -> memref<80x128xf32, #tpu.memory_space<vmem>>
      %dma_wait3A_145 = arith.constant 0 : i32
      %dma_wait3A_146 = arith.constant 0 : i32
      %dma_wait3A_147 = tpu.memref_slice %arg12[%dma_wait3A_145, %dma_wait3A_146] : memref<10240x128xf32, #tpu.memory_space<vmem_shared>> -> memref<10240x128xf32, #tpu.memory_space<vmem_shared>>
      tpu.wait_indirect_dma semaphore(%arg13 : memref<!tpu.dma_semaphore, #tpu.memory_space<semaphore_mem>>) src(%dma_wait3A_144 : memref<80x128xf32, #tpu.memory_space<vmem>>) dst(%dma_wait3A_147 : memref<10240x128xf32, #tpu.memory_space<vmem_shared>>)
      %dma_wait3A_148 = tpu.memref_slice %arg3[%add3A_122] : memref<640000xi32, #tpu.memory_space<hbm>> -> memref<80xi32, #tpu.memory_space<hbm>>
      %dma_wait3A_149 = tpu.memref_slice %arg3[%add3A_122] : memref<640000xi32, #tpu.memory_space<hbm>> -> memref<80xi32, #tpu.memory_space<hbm>>
      tpu.wait_dma2 semaphore(%arg14 : memref<!tpu.dma_semaphore, #tpu.memory_space<semaphore_mem>>) src(%dma_wait3A_149 : memref<80xi32, #tpu.memory_space<hbm>>) dst(%arg10 : memref<80xi32, #tpu.memory_space<vmem>>)
      %dma_wait3A_150 = tpu.memref_slice %arg3[%add3A_129] : memref<640000xi32, #tpu.memory_space<hbm>> -> memref<80xi32, #tpu.memory_space<hbm>>
      %dma_wait3A_151 = tpu.memref_slice %arg3[%add3A_129] : memref<640000xi32, #tpu.memory_space<hbm>> -> memref<80xi32, #tpu.memory_space<hbm>>
      tpu.wait_dma2 semaphore(%arg14 : memref<!tpu.dma_semaphore, #tpu.memory_space<semaphore_mem>>) src(%dma_wait3A_151 : memref<80xi32, #tpu.memory_space<hbm>>) dst(%arg11 : memref<80xi32, #tpu.memory_space<vmem>>)
      %dma_wait3A_152 = arith.constant 0 : i32
      %dma_wait3A_153 = tpu.memref_slice %arg2[%add3A_117, %dma_wait3A_152] : memref<320000x128xf32, #tpu.memory_space<hbm>> -> memref<160x128xf32, #tpu.memory_space<hbm>>
      %dma_wait3A_154 = arith.constant 0 : i32
      %dma_wait3A_155 = tpu.memref_slice %arg2[%add3A_117, %dma_wait3A_154] : memref<320000x128xf32, #tpu.memory_space<hbm>> -> memref<160x128xf32, #tpu.memory_space<hbm>>
      tpu.wait_dma2 semaphore(%arg14 : memref<!tpu.dma_semaphore, #tpu.memory_space<semaphore_mem>>) src(%dma_wait3A_155 : memref<160x128xf32, #tpu.memory_space<hbm>>) dst(%arg7 : memref<160x128xf32, #tpu.memory_space<vmem>>)
      %dma_start3A_156 = arith.constant 0 : i32
      %dma_start3A_157 = arith.constant 0 : i32
      %dma_start3A_158 = tpu.memref_slice %arg7[%dma_start3A_156, %dma_start3A_157] : memref<160x128xf32, #tpu.memory_space<vmem>> -> memref<80x128xf32, #tpu.memory_space<vmem>>
      %dma_start3A_159 = arith.constant 0 : i32
      %dma_start3A_160 = arith.constant 0 : i32
      %dma_start3A_161 = tpu.memref_slice %arg12[%dma_start3A_159, %dma_start3A_160] : memref<10240x128xf32, #tpu.memory_space<vmem_shared>> -> memref<10240x128xf32, #tpu.memory_space<vmem_shared>>
      tpu.enqueue_indirect_dma source(%dma_start3A_158 : memref<80x128xf32, #tpu.memory_space<vmem>>) target(%dma_start3A_161 : memref<10240x128xf32, #tpu.memory_space<vmem_shared>>) offsets(%arg10 : memref<80xi32, #tpu.memory_space<vmem>>) semaphore(%arg14 : memref<!tpu.dma_semaphore, #tpu.memory_space<semaphore_mem>>) {add = true}
      %dma_start3A_162 = arith.constant 80 : i32
      %dma_start3A_163 = arith.constant 0 : i32
      %dma_start3A_164 = tpu.memref_slice %arg7[%dma_start3A_162, %dma_start3A_163] : memref<160x128xf32, #tpu.memory_space<vmem>> -> memref<80x128xf32, #tpu.memory_space<vmem>>
      %dma_start3A_165 = arith.constant 0 : i32
      %dma_start3A_166 = arith.constant 0 : i32
      %dma_start3A_167 = tpu.memref_slice %arg12[%dma_start3A_165, %dma_start3A_166] : memref<10240x128xf32, #tpu.memory_space<vmem_shared>> -> memref<10240x128xf32, #tpu.memory_space<vmem_shared>>
      tpu.enqueue_indirect_dma source(%dma_start3A_164 : memref<80x128xf32, #tpu.memory_space<vmem>>) target(%dma_start3A_167 : memref<10240x128xf32, #tpu.memory_space<vmem_shared>>) offsets(%arg11 : memref<80xi32, #tpu.memory_space<vmem>>) semaphore(%arg14 : memref<!tpu.dma_semaphore, #tpu.memory_space<semaphore_mem>>) {add = true}
      %dma_wait3A_168 = arith.constant 0 : i32
      %dma_wait3A_169 = arith.constant 0 : i32
      %dma_wait3A_170 = tpu.memref_slice %arg7[%dma_wait3A_168, %dma_wait3A_169] : memref<160x128xf32, #tpu.memory_space<vmem>> -> memref<80x128xf32, #tpu.memory_space<vmem>>
      %dma_wait3A_171 = arith.constant 0 : i32
      %dma_wait3A_172 = arith.constant 0 : i32
      %dma_wait3A_173 = tpu.memref_slice %arg12[%dma_wait3A_171, %dma_wait3A_172] : memref<10240x128xf32, #tpu.memory_space<vmem_shared>> -> memref<10240x128xf32, #tpu.memory_space<vmem_shared>>
      tpu.wait_indirect_dma semaphore(%arg14 : memref<!tpu.dma_semaphore, #tpu.memory_space<semaphore_mem>>) src(%dma_wait3A_170 : memref<80x128xf32, #tpu.memory_space<vmem>>) dst(%dma_wait3A_173 : memref<10240x128xf32, #tpu.memory_space<vmem_shared>>)
      %dma_wait3A_174 = arith.constant 80 : i32
      %dma_wait3A_175 = arith.constant 0 : i32
      %dma_wait3A_176 = tpu.memref_slice %arg7[%dma_wait3A_174, %dma_wait3A_175] : memref<160x128xf32, #tpu.memory_space<vmem>> -> memref<80x128xf32, #tpu.memory_space<vmem>>
      %dma_wait3A_177 = arith.constant 0 : i32
      %dma_wait3A_178 = arith.constant 0 : i32
      %dma_wait3A_179 = tpu.memref_slice %arg12[%dma_wait3A_177, %dma_wait3A_178] : memref<10240x128xf32, #tpu.memory_space<vmem_shared>> -> memref<10240x128xf32, #tpu.memory_space<vmem_shared>>
      tpu.wait_indirect_dma semaphore(%arg14 : memref<!tpu.dma_semaphore, #tpu.memory_space<semaphore_mem>>) src(%dma_wait3A_176 : memref<80x128xf32, #tpu.memory_space<vmem>>) dst(%dma_wait3A_179 : memref<10240x128xf32, #tpu.memory_space<vmem_shared>>)
    }
    %scan3A_6 = arith.constant 62 : i32
    %mul3A_7 = arith.constant 20000 : i32
    %mul3A_8 = arith.muli %arg1, %mul3A_7 : i32
    %add3A = arith.constant 19840 : i32
    %add3A_9 = arith.addi %mul3A_8, %add3A : i32
    %mul3A_10 = arith.constant 320000 : i32
    %mul3A_11 = arith.muli %arg0, %mul3A_10 : i32
    %add3A_12 = arith.addi %mul3A_11, %add3A_9 : i32
    %add3A_13 = arith.constant 0 : i32
    %add3A_14 = arith.addi %add3A_12, %add3A_13 : i32
    %dma_start3A = tpu.memref_slice %arg3[%add3A_14] : memref<640000xi32, #tpu.memory_space<hbm>> -> memref<80xi32, #tpu.memory_space<hbm>>
    %dma_start3A_15 = tpu.memref_slice %arg3[%add3A_14] : memref<640000xi32, #tpu.memory_space<hbm>> -> memref<80xi32, #tpu.memory_space<hbm>>
    tpu.enqueue_dma source(%dma_start3A_15 : memref<80xi32, #tpu.memory_space<hbm>>) target(%arg8 : memref<80xi32, #tpu.memory_space<vmem>>) target_semaphore(%arg13 : memref<!tpu.dma_semaphore, #tpu.memory_space<semaphore_mem>>)
    %mul3A_16 = arith.constant 320000 : i32
    %mul3A_17 = arith.muli %arg0, %mul3A_16 : i32
    %add3A_18 = arith.addi %mul3A_17, %add3A_9 : i32
    %add3A_19 = arith.constant 80 : i32
    %add3A_20 = arith.addi %add3A_18, %add3A_19 : i32
    %dma_start3A_21 = tpu.memref_slice %arg3[%add3A_20] : memref<640000xi32, #tpu.memory_space<hbm>> -> memref<80xi32, #tpu.memory_space<hbm>>
    %dma_start3A_22 = tpu.memref_slice %arg3[%add3A_20] : memref<640000xi32, #tpu.memory_space<hbm>> -> memref<80xi32, #tpu.memory_space<hbm>>
    tpu.enqueue_dma source(%dma_start3A_22 : memref<80xi32, #tpu.memory_space<hbm>>) target(%arg9 : memref<80xi32, #tpu.memory_space<vmem>>) target_semaphore(%arg13 : memref<!tpu.dma_semaphore, #tpu.memory_space<semaphore_mem>>)
    %dma_start3A_23 = arith.constant 0 : i32
    %dma_start3A_24 = tpu.memref_slice %arg2[%add3A_9, %dma_start3A_23] : memref<320000x128xf32, #tpu.memory_space<hbm>> -> memref<160x128xf32, #tpu.memory_space<hbm>>
    %dma_start3A_25 = arith.constant 0 : i32
    %dma_start3A_26 = tpu.memref_slice %arg2[%add3A_9, %dma_start3A_25] : memref<320000x128xf32, #tpu.memory_space<hbm>> -> memref<160x128xf32, #tpu.memory_space<hbm>>
    tpu.enqueue_dma source(%dma_start3A_26 : memref<160x128xf32, #tpu.memory_space<hbm>>) target(%arg6 : memref<160x128xf32, #tpu.memory_space<vmem>>) target_semaphore(%arg13 : memref<!tpu.dma_semaphore, #tpu.memory_space<semaphore_mem>>)
    %dma_wait3A = tpu.memref_slice %arg3[%add3A_14] : memref<640000xi32, #tpu.memory_space<hbm>> -> memref<80xi32, #tpu.memory_space<hbm>>
    %dma_wait3A_27 = tpu.memref_slice %arg3[%add3A_14] : memref<640000xi32, #tpu.memory_space<hbm>> -> memref<80xi32, #tpu.memory_space<hbm>>
    tpu.wait_dma2 semaphore(%arg13 : memref<!tpu.dma_semaphore, #tpu.memory_space<semaphore_mem>>) src(%dma_wait3A_27 : memref<80xi32, #tpu.memory_space<hbm>>) dst(%arg8 : memref<80xi32, #tpu.memory_space<vmem>>)
    %dma_wait3A_28 = tpu.memref_slice %arg3[%add3A_20] : memref<640000xi32, #tpu.memory_space<hbm>> -> memref<80xi32, #tpu.memory_space<hbm>>
    %dma_wait3A_29 = tpu.memref_slice %arg3[%add3A_20] : memref<640000xi32, #tpu.memory_space<hbm>> -> memref<80xi32, #tpu.memory_space<hbm>>
    tpu.wait_dma2 semaphore(%arg13 : memref<!tpu.dma_semaphore, #tpu.memory_space<semaphore_mem>>) src(%dma_wait3A_29 : memref<80xi32, #tpu.memory_space<hbm>>) dst(%arg9 : memref<80xi32, #tpu.memory_space<vmem>>)
    %dma_wait3A_30 = arith.constant 0 : i32
    %dma_wait3A_31 = tpu.memref_slice %arg2[%add3A_9, %dma_wait3A_30] : memref<320000x128xf32, #tpu.memory_space<hbm>> -> memref<160x128xf32, #tpu.memory_space<hbm>>
    %dma_wait3A_32 = arith.constant 0 : i32
    %dma_wait3A_33 = tpu.memref_slice %arg2[%add3A_9, %dma_wait3A_32] : memref<320000x128xf32, #tpu.memory_space<hbm>> -> memref<160x128xf32, #tpu.memory_space<hbm>>
    tpu.wait_dma2 semaphore(%arg13 : memref<!tpu.dma_semaphore, #tpu.memory_space<semaphore_mem>>) src(%dma_wait3A_33 : memref<160x128xf32, #tpu.memory_space<hbm>>) dst(%arg6 : memref<160x128xf32, #tpu.memory_space<vmem>>)
    %dma_start3A_34 = arith.constant 0 : i32
    %dma_start3A_35 = arith.constant 0 : i32
    %dma_start3A_36 = tpu.memref_slice %arg6[%dma_start3A_34, %dma_start3A_35] : memref<160x128xf32, #tpu.memory_space<vmem>> -> memref<80x128xf32, #tpu.memory_space<vmem>>
    %dma_start3A_37 = arith.constant 0 : i32
    %dma_start3A_38 = arith.constant 0 : i32
    %dma_start3A_39 = tpu.memref_slice %arg12[%dma_start3A_37, %dma_start3A_38] : memref<10240x128xf32, #tpu.memory_space<vmem_shared>> -> memref<10240x128xf32, #tpu.memory_space<vmem_shared>>
    tpu.enqueue_indirect_dma source(%dma_start3A_36 : memref<80x128xf32, #tpu.memory_space<vmem>>) target(%dma_start3A_39 : memref<10240x128xf32, #tpu.memory_space<vmem_shared>>) offsets(%arg8 : memref<80xi32, #tpu.memory_space<vmem>>) semaphore(%arg13 : memref<!tpu.dma_semaphore, #tpu.memory_space<semaphore_mem>>) {add = true}
    %dma_start3A_40 = arith.constant 80 : i32
    %dma_start3A_41 = arith.constant 0 : i32
    %dma_start3A_42 = tpu.memref_slice %arg6[%dma_start3A_40, %dma_start3A_41] : memref<160x128xf32, #tpu.memory_space<vmem>> -> memref<80x128xf32, #tpu.memory_space<vmem>>
    %dma_start3A_43 = arith.constant 0 : i32
    %dma_start3A_44 = arith.constant 0 : i32
    %dma_start3A_45 = tpu.memref_slice %arg12[%dma_start3A_43, %dma_start3A_44] : memref<10240x128xf32, #tpu.memory_space<vmem_shared>> -> memref<10240x128xf32, #tpu.memory_space<vmem_shared>>
    tpu.enqueue_indirect_dma source(%dma_start3A_42 : memref<80x128xf32, #tpu.memory_space<vmem>>) target(%dma_start3A_45 : memref<10240x128xf32, #tpu.memory_space<vmem_shared>>) offsets(%arg9 : memref<80xi32, #tpu.memory_space<vmem>>) semaphore(%arg13 : memref<!tpu.dma_semaphore, #tpu.memory_space<semaphore_mem>>) {add = true}
    %dma_wait3A_46 = arith.constant 0 : i32
    %dma_wait3A_47 = arith.constant 0 : i32
    %dma_wait3A_48 = tpu.memref_slice %arg6[%dma_wait3A_46, %dma_wait3A_47] : memref<160x128xf32, #tpu.memory_space<vmem>> -> memref<80x128xf32, #tpu.memory_space<vmem>>
    %dma_wait3A_49 = arith.constant 0 : i32
    %dma_wait3A_50 = arith.constant 0 : i32
    %dma_wait3A_51 = tpu.memref_slice %arg12[%dma_wait3A_49, %dma_wait3A_50] : memref<10240x128xf32, #tpu.memory_space<vmem_shared>> -> memref<10240x128xf32, #tpu.memory_space<vmem_shared>>
    tpu.wait_indirect_dma semaphore(%arg13 : memref<!tpu.dma_semaphore, #tpu.memory_space<semaphore_mem>>) src(%dma_wait3A_48 : memref<80x128xf32, #tpu.memory_space<vmem>>) dst(%dma_wait3A_51 : memref<10240x128xf32, #tpu.memory_space<vmem_shared>>)
    %dma_wait3A_52 = arith.constant 80 : i32
    %dma_wait3A_53 = arith.constant 0 : i32
    %dma_wait3A_54 = tpu.memref_slice %arg6[%dma_wait3A_52, %dma_wait3A_53] : memref<160x128xf32, #tpu.memory_space<vmem>> -> memref<80x128xf32, #tpu.memory_space<vmem>>
    %dma_wait3A_55 = arith.constant 0 : i32
    %dma_wait3A_56 = arith.constant 0 : i32
    %dma_wait3A_57 = tpu.memref_slice %arg12[%dma_wait3A_55, %dma_wait3A_56] : memref<10240x128xf32, #tpu.memory_space<vmem_shared>> -> memref<10240x128xf32, #tpu.memory_space<vmem_shared>>
    tpu.wait_indirect_dma semaphore(%arg13 : memref<!tpu.dma_semaphore, #tpu.memory_space<semaphore_mem>>) src(%dma_wait3A_54 : memref<80x128xf32, #tpu.memory_space<vmem>>) dst(%dma_wait3A_57 : memref<10240x128xf32, #tpu.memory_space<vmem_shared>>)
    %barrier3A_58 = arith.constant 0 : index
    tpu.barrier barrier_id(%barrier3A_58)
    %mul3A_59 = arith.constant 640 : i32
    %mul3A_60 = arith.muli %arg1, %mul3A_59 : i32
    %mul3A_61 = arith.constant 640 : i32
    %mul3A_62 = arith.muli %arg1, %mul3A_61 : i32
    "tpu.region"() ({
      %run_scoped3A = tpu.sem_alloc : memref<!tpu.dma_semaphore, #tpu.memory_space<semaphore_mem>>
      %dma_start3A_63 = arith.constant 0 : i32
      %dma_start3A_64 = tpu.memref_slice %arg5[%arg0, %mul3A_62, %dma_start3A_63] : memref<2x10240x128xf32, #tpu.memory_space<hbm>> -> memref<1x640x128xf32, #tpu.memory_space<hbm>>
      %dma_start3A_65 = tpu.memref_squeeze %dma_start3A_64 : memref<1x640x128xf32, #tpu.memory_space<hbm>> -> memref<640x128xf32, #tpu.memory_space<hbm>>
      %dma_start3A_66 = arith.constant 0 : i32
      %dma_start3A_67 = tpu.memref_slice %arg12[%mul3A_60, %dma_start3A_66] : memref<10240x128xf32, #tpu.memory_space<vmem_shared>> -> memref<640x128xf32, #tpu.memory_space<vmem_shared>>
      tpu.enqueue_dma source(%dma_start3A_67 : memref<640x128xf32, #tpu.memory_space<vmem_shared>>) target(%dma_start3A_65 : memref<640x128xf32, #tpu.memory_space<hbm>>) target_semaphore(%run_scoped3A : memref<!tpu.dma_semaphore, #tpu.memory_space<semaphore_mem>>)
      %dma_wait3A_68 = arith.constant 0 : i32
      %dma_wait3A_69 = tpu.memref_slice %arg5[%arg0, %mul3A_62, %dma_wait3A_68] : memref<2x10240x128xf32, #tpu.memory_space<hbm>> -> memref<1x640x128xf32, #tpu.memory_space<hbm>>
      %dma_wait3A_70 = tpu.memref_squeeze %dma_wait3A_69 : memref<1x640x128xf32, #tpu.memory_space<hbm>> -> memref<640x128xf32, #tpu.memory_space<hbm>>
      %dma_wait3A_71 = arith.constant 0 : i32
      %dma_wait3A_72 = tpu.memref_slice %arg12[%mul3A_60, %dma_wait3A_71] : memref<10240x128xf32, #tpu.memory_space<vmem_shared>> -> memref<640x128xf32, #tpu.memory_space<vmem_shared>>
      tpu.wait_dma2 semaphore(%run_scoped3A : memref<!tpu.dma_semaphore, #tpu.memory_space<semaphore_mem>>) src(%dma_wait3A_72 : memref<640x128xf32, #tpu.memory_space<vmem_shared>>) dst(%dma_wait3A_70 : memref<640x128xf32, #tpu.memory_space<hbm>>)
      tpu.yield
    }) : () -> ()
    return
  }
}

#map = affine_map<(d0, d1) -> (0, 0)>
#map1 = affine_map<(d0, d1) -> (0)>
#map2 = affine_map<(d0, d1) -> (0, 0, 0)>
module attributes {stable_mosaic.version = 14 : i64} {
  func.func @_gather_body(%arg0: i32, %arg1: i32, %arg2: memref<20480x128xf32, #tpu.memory_space<hbm>>, %arg3: memref<640000xi32, #tpu.memory_space<hbm>>, %arg4: memref<2x320000x128xf32, #tpu.memory_space<hbm>>, %arg5: memref<400x128xf32, #tpu.memory_space<vmem>>, %arg6: memref<400x128xf32, #tpu.memory_space<vmem>>, %arg7: memref<80xi32, #tpu.memory_space<vmem>>, %arg8: memref<80xi32, #tpu.memory_space<vmem>>, %arg9: memref<80xi32, #tpu.memory_space<vmem>>, %arg10: memref<80xi32, #tpu.memory_space<vmem>>, %arg11: memref<80xi32, #tpu.memory_space<vmem>>, %arg12: memref<80xi32, #tpu.memory_space<vmem>>, %arg13: memref<80xi32, #tpu.memory_space<vmem>>, %arg14: memref<80xi32, #tpu.memory_space<vmem>>, %arg15: memref<80xi32, #tpu.memory_space<vmem>>, %arg16: memref<80xi32, #tpu.memory_space<vmem>>, %arg17: memref<!tpu.dma_semaphore, #tpu.memory_space<semaphore_mem>>, %arg18: memref<!tpu.dma_semaphore, #tpu.memory_space<semaphore_mem>>) attributes {dimension_semantics = [#tpu.dimension_semantics<core_parallel>, #tpu.dimension_semantics<subcore_parallel>], iteration_bounds = array<i64: 2, 16>, scalar_prefetch = 0 : i64, scratch_operands = 14 : i64, tpu.core_type = #tpu.core_type<sc_vector_subcore>, window_params = [{transform_indices = #map}, {transform_indices = #map1}, {transform_indices = #map2}]} {
    %scan3A = arith.constant 0 : i32
    %scan3A_0 = arith.constant 25 : i32
    %scan3A_1 = arith.addi %scan3A, %scan3A_0 : i32
    %scan3A_2 = arith.constant 1 : i32
    scf.for %scan3A_4 = %scan3A to %scan3A_1 step %scan3A_2  : i32 {
      %mul3A = arith.constant 2 : i32
      %mul3A_5 = arith.muli %scan3A_4, %mul3A : i32
      %add3A = arith.constant 0 : i32
      %add3A_6 = arith.addi %add3A, %mul3A_5 : i32
      %mul3A_7 = arith.constant 20000 : i32
      %mul3A_8 = arith.muli %arg1, %mul3A_7 : i32
      %mul3A_9 = arith.constant 400 : i32
      %mul3A_10 = arith.muli %add3A_6, %mul3A_9 : i32
      %add3A_11 = arith.addi %mul3A_8, %mul3A_10 : i32
      %mul3A_12 = arith.constant 320000 : i32
      %mul3A_13 = arith.muli %arg0, %mul3A_12 : i32
      %add3A_14 = arith.addi %mul3A_13, %add3A_11 : i32
      %add3A_15 = arith.constant 0 : i32
      %add3A_16 = arith.addi %add3A_14, %add3A_15 : i32
      %dma_start3A = tpu.memref_slice %arg3[%add3A_16] : memref<640000xi32, #tpu.memory_space<hbm>> -> memref<80xi32, #tpu.memory_space<hbm>>
      %dma_start3A_17 = tpu.memref_slice %arg3[%add3A_16] : memref<640000xi32, #tpu.memory_space<hbm>> -> memref<80xi32, #tpu.memory_space<hbm>>
      tpu.enqueue_dma source(%dma_start3A_17 : memref<80xi32, #tpu.memory_space<hbm>>) target(%arg7 : memref<80xi32, #tpu.memory_space<vmem>>) target_semaphore(%arg17 : memref<!tpu.dma_semaphore, #tpu.memory_space<semaphore_mem>>)
      %mul3A_18 = arith.constant 320000 : i32
      %mul3A_19 = arith.muli %arg0, %mul3A_18 : i32
      %add3A_20 = arith.addi %mul3A_19, %add3A_11 : i32
      %add3A_21 = arith.constant 80 : i32
      %add3A_22 = arith.addi %add3A_20, %add3A_21 : i32
      %dma_start3A_23 = tpu.memref_slice %arg3[%add3A_22] : memref<640000xi32, #tpu.memory_space<hbm>> -> memref<80xi32, #tpu.memory_space<hbm>>
      %dma_start3A_24 = tpu.memref_slice %arg3[%add3A_22] : memref<640000xi32, #tpu.memory_space<hbm>> -> memref<80xi32, #tpu.memory_space<hbm>>
      tpu.enqueue_dma source(%dma_start3A_24 : memref<80xi32, #tpu.memory_space<hbm>>) target(%arg8 : memref<80xi32, #tpu.memory_space<vmem>>) target_semaphore(%arg17 : memref<!tpu.dma_semaphore, #tpu.memory_space<semaphore_mem>>)
      %mul3A_25 = arith.constant 320000 : i32
      %mul3A_26 = arith.muli %arg0, %mul3A_25 : i32
      %add3A_27 = arith.addi %mul3A_26, %add3A_11 : i32
      %add3A_28 = arith.constant 160 : i32
      %add3A_29 = arith.addi %add3A_27, %add3A_28 : i32
      %dma_start3A_30 = tpu.memref_slice %arg3[%add3A_29] : memref<640000xi32, #tpu.memory_space<hbm>> -> memref<80xi32, #tpu.memory_space<hbm>>
      %dma_start3A_31 = tpu.memref_slice %arg3[%add3A_29] : memref<640000xi32, #tpu.memory_space<hbm>> -> memref<80xi32, #tpu.memory_space<hbm>>
      tpu.enqueue_dma source(%dma_start3A_31 : memref<80xi32, #tpu.memory_space<hbm>>) target(%arg9 : memref<80xi32, #tpu.memory_space<vmem>>) target_semaphore(%arg17 : memref<!tpu.dma_semaphore, #tpu.memory_space<semaphore_mem>>)
      %mul3A_32 = arith.constant 320000 : i32
      %mul3A_33 = arith.muli %arg0, %mul3A_32 : i32
      %add3A_34 = arith.addi %mul3A_33, %add3A_11 : i32
      %add3A_35 = arith.constant 240 : i32
      %add3A_36 = arith.addi %add3A_34, %add3A_35 : i32
      %dma_start3A_37 = tpu.memref_slice %arg3[%add3A_36] : memref<640000xi32, #tpu.memory_space<hbm>> -> memref<80xi32, #tpu.memory_space<hbm>>
      %dma_start3A_38 = tpu.memref_slice %arg3[%add3A_36] : memref<640000xi32, #tpu.memory_space<hbm>> -> memref<80xi32, #tpu.memory_space<hbm>>
      tpu.enqueue_dma source(%dma_start3A_38 : memref<80xi32, #tpu.memory_space<hbm>>) target(%arg10 : memref<80xi32, #tpu.memory_space<vmem>>) target_semaphore(%arg17 : memref<!tpu.dma_semaphore, #tpu.memory_space<semaphore_mem>>)
      %mul3A_39 = arith.constant 320000 : i32
      %mul3A_40 = arith.muli %arg0, %mul3A_39 : i32
      %add3A_41 = arith.addi %mul3A_40, %add3A_11 : i32
      %add3A_42 = arith.constant 320 : i32
      %add3A_43 = arith.addi %add3A_41, %add3A_42 : i32
      %dma_start3A_44 = tpu.memref_slice %arg3[%add3A_43] : memref<640000xi32, #tpu.memory_space<hbm>> -> memref<80xi32, #tpu.memory_space<hbm>>
      %dma_start3A_45 = tpu.memref_slice %arg3[%add3A_43] : memref<640000xi32, #tpu.memory_space<hbm>> -> memref<80xi32, #tpu.memory_space<hbm>>
      tpu.enqueue_dma source(%dma_start3A_45 : memref<80xi32, #tpu.memory_space<hbm>>) target(%arg11 : memref<80xi32, #tpu.memory_space<vmem>>) target_semaphore(%arg17 : memref<!tpu.dma_semaphore, #tpu.memory_space<semaphore_mem>>)
      %dma_wait3A = tpu.memref_slice %arg3[%add3A_16] : memref<640000xi32, #tpu.memory_space<hbm>> -> memref<80xi32, #tpu.memory_space<hbm>>
      %dma_wait3A_46 = tpu.memref_slice %arg3[%add3A_16] : memref<640000xi32, #tpu.memory_space<hbm>> -> memref<80xi32, #tpu.memory_space<hbm>>
      tpu.wait_dma2 semaphore(%arg17 : memref<!tpu.dma_semaphore, #tpu.memory_space<semaphore_mem>>) src(%dma_wait3A_46 : memref<80xi32, #tpu.memory_space<hbm>>) dst(%arg7 : memref<80xi32, #tpu.memory_space<vmem>>)
      %dma_wait3A_47 = tpu.memref_slice %arg3[%add3A_22] : memref<640000xi32, #tpu.memory_space<hbm>> -> memref<80xi32, #tpu.memory_space<hbm>>
      %dma_wait3A_48 = tpu.memref_slice %arg3[%add3A_22] : memref<640000xi32, #tpu.memory_space<hbm>> -> memref<80xi32, #tpu.memory_space<hbm>>
      tpu.wait_dma2 semaphore(%arg17 : memref<!tpu.dma_semaphore, #tpu.memory_space<semaphore_mem>>) src(%dma_wait3A_48 : memref<80xi32, #tpu.memory_space<hbm>>) dst(%arg8 : memref<80xi32, #tpu.memory_space<vmem>>)
      %dma_wait3A_49 = tpu.memref_slice %arg3[%add3A_29] : memref<640000xi32, #tpu.memory_space<hbm>> -> memref<80xi32, #tpu.memory_space<hbm>>
      %dma_wait3A_50 = tpu.memref_slice %arg3[%add3A_29] : memref<640000xi32, #tpu.memory_space<hbm>> -> memref<80xi32, #tpu.memory_space<hbm>>
      tpu.wait_dma2 semaphore(%arg17 : memref<!tpu.dma_semaphore, #tpu.memory_space<semaphore_mem>>) src(%dma_wait3A_50 : memref<80xi32, #tpu.memory_space<hbm>>) dst(%arg9 : memref<80xi32, #tpu.memory_space<vmem>>)
      %dma_wait3A_51 = tpu.memref_slice %arg3[%add3A_36] : memref<640000xi32, #tpu.memory_space<hbm>> -> memref<80xi32, #tpu.memory_space<hbm>>
      %dma_wait3A_52 = tpu.memref_slice %arg3[%add3A_36] : memref<640000xi32, #tpu.memory_space<hbm>> -> memref<80xi32, #tpu.memory_space<hbm>>
      tpu.wait_dma2 semaphore(%arg17 : memref<!tpu.dma_semaphore, #tpu.memory_space<semaphore_mem>>) src(%dma_wait3A_52 : memref<80xi32, #tpu.memory_space<hbm>>) dst(%arg10 : memref<80xi32, #tpu.memory_space<vmem>>)
      %dma_wait3A_53 = tpu.memref_slice %arg3[%add3A_43] : memref<640000xi32, #tpu.memory_space<hbm>> -> memref<80xi32, #tpu.memory_space<hbm>>
      %dma_wait3A_54 = tpu.memref_slice %arg3[%add3A_43] : memref<640000xi32, #tpu.memory_space<hbm>> -> memref<80xi32, #tpu.memory_space<hbm>>
      tpu.wait_dma2 semaphore(%arg17 : memref<!tpu.dma_semaphore, #tpu.memory_space<semaphore_mem>>) src(%dma_wait3A_54 : memref<80xi32, #tpu.memory_space<hbm>>) dst(%arg11 : memref<80xi32, #tpu.memory_space<vmem>>)
      %dma_start3A_55 = arith.constant 0 : i32
      %dma_start3A_56 = arith.constant 0 : i32
      %dma_start3A_57 = tpu.memref_slice %arg5[%dma_start3A_55, %dma_start3A_56] : memref<400x128xf32, #tpu.memory_space<vmem>> -> memref<80x128xf32, #tpu.memory_space<vmem>>
      %dma_start3A_58 = arith.constant 0 : i32
      %dma_start3A_59 = arith.constant 0 : i32
      %dma_start3A_60 = tpu.memref_slice %arg2[%dma_start3A_58, %dma_start3A_59] : memref<20480x128xf32, #tpu.memory_space<hbm>> -> memref<20480x128xf32, #tpu.memory_space<hbm>>
      tpu.enqueue_indirect_dma source(%dma_start3A_60 : memref<20480x128xf32, #tpu.memory_space<hbm>>) target(%dma_start3A_57 : memref<80x128xf32, #tpu.memory_space<vmem>>) offsets(%arg7 : memref<80xi32, #tpu.memory_space<vmem>>) semaphore(%arg17 : memref<!tpu.dma_semaphore, #tpu.memory_space<semaphore_mem>>)
      %dma_start3A_61 = arith.constant 80 : i32
      %dma_start3A_62 = arith.constant 0 : i32
      %dma_start3A_63 = tpu.memref_slice %arg5[%dma_start3A_61, %dma_start3A_62] : memref<400x128xf32, #tpu.memory_space<vmem>> -> memref<80x128xf32, #tpu.memory_space<vmem>>
      %dma_start3A_64 = arith.constant 0 : i32
      %dma_start3A_65 = arith.constant 0 : i32
      %dma_start3A_66 = tpu.memref_slice %arg2[%dma_start3A_64, %dma_start3A_65] : memref<20480x128xf32, #tpu.memory_space<hbm>> -> memref<20480x128xf32, #tpu.memory_space<hbm>>
      tpu.enqueue_indirect_dma source(%dma_start3A_66 : memref<20480x128xf32, #tpu.memory_space<hbm>>) target(%dma_start3A_63 : memref<80x128xf32, #tpu.memory_space<vmem>>) offsets(%arg8 : memref<80xi32, #tpu.memory_space<vmem>>) semaphore(%arg17 : memref<!tpu.dma_semaphore, #tpu.memory_space<semaphore_mem>>)
      %dma_start3A_67 = arith.constant 160 : i32
      %dma_start3A_68 = arith.constant 0 : i32
      %dma_start3A_69 = tpu.memref_slice %arg5[%dma_start3A_67, %dma_start3A_68] : memref<400x128xf32, #tpu.memory_space<vmem>> -> memref<80x128xf32, #tpu.memory_space<vmem>>
      %dma_start3A_70 = arith.constant 0 : i32
      %dma_start3A_71 = arith.constant 0 : i32
      %dma_start3A_72 = tpu.memref_slice %arg2[%dma_start3A_70, %dma_start3A_71] : memref<20480x128xf32, #tpu.memory_space<hbm>> -> memref<20480x128xf32, #tpu.memory_space<hbm>>
      tpu.enqueue_indirect_dma source(%dma_start3A_72 : memref<20480x128xf32, #tpu.memory_space<hbm>>) target(%dma_start3A_69 : memref<80x128xf32, #tpu.memory_space<vmem>>) offsets(%arg9 : memref<80xi32, #tpu.memory_space<vmem>>) semaphore(%arg17 : memref<!tpu.dma_semaphore, #tpu.memory_space<semaphore_mem>>)
      %dma_start3A_73 = arith.constant 240 : i32
      %dma_start3A_74 = arith.constant 0 : i32
      %dma_start3A_75 = tpu.memref_slice %arg5[%dma_start3A_73, %dma_start3A_74] : memref<400x128xf32, #tpu.memory_space<vmem>> -> memref<80x128xf32, #tpu.memory_space<vmem>>
      %dma_start3A_76 = arith.constant 0 : i32
      %dma_start3A_77 = arith.constant 0 : i32
      %dma_start3A_78 = tpu.memref_slice %arg2[%dma_start3A_76, %dma_start3A_77] : memref<20480x128xf32, #tpu.memory_space<hbm>> -> memref<20480x128xf32, #tpu.memory_space<hbm>>
      tpu.enqueue_indirect_dma source(%dma_start3A_78 : memref<20480x128xf32, #tpu.memory_space<hbm>>) target(%dma_start3A_75 : memref<80x128xf32, #tpu.memory_space<vmem>>) offsets(%arg10 : memref<80xi32, #tpu.memory_space<vmem>>) semaphore(%arg17 : memref<!tpu.dma_semaphore, #tpu.memory_space<semaphore_mem>>)
      %dma_start3A_79 = arith.constant 320 : i32
      %dma_start3A_80 = arith.constant 0 : i32
      %dma_start3A_81 = tpu.memref_slice %arg5[%dma_start3A_79, %dma_start3A_80] : memref<400x128xf32, #tpu.memory_space<vmem>> -> memref<80x128xf32, #tpu.memory_space<vmem>>
      %dma_start3A_82 = arith.constant 0 : i32
      %dma_start3A_83 = arith.constant 0 : i32
      %dma_start3A_84 = tpu.memref_slice %arg2[%dma_start3A_82, %dma_start3A_83] : memref<20480x128xf32, #tpu.memory_space<hbm>> -> memref<20480x128xf32, #tpu.memory_space<hbm>>
      tpu.enqueue_indirect_dma source(%dma_start3A_84 : memref<20480x128xf32, #tpu.memory_space<hbm>>) target(%dma_start3A_81 : memref<80x128xf32, #tpu.memory_space<vmem>>) offsets(%arg11 : memref<80xi32, #tpu.memory_space<vmem>>) semaphore(%arg17 : memref<!tpu.dma_semaphore, #tpu.memory_space<semaphore_mem>>)
      %dma_wait3A_85 = arith.constant 0 : i32
      %dma_wait3A_86 = arith.constant 0 : i32
      %dma_wait3A_87 = tpu.memref_slice %arg5[%dma_wait3A_85, %dma_wait3A_86] : memref<400x128xf32, #tpu.memory_space<vmem>> -> memref<80x128xf32, #tpu.memory_space<vmem>>
      %dma_wait3A_88 = arith.constant 0 : i32
      %dma_wait3A_89 = arith.constant 0 : i32
      %dma_wait3A_90 = tpu.memref_slice %arg2[%dma_wait3A_88, %dma_wait3A_89] : memref<20480x128xf32, #tpu.memory_space<hbm>> -> memref<20480x128xf32, #tpu.memory_space<hbm>>
      tpu.wait_indirect_dma semaphore(%arg17 : memref<!tpu.dma_semaphore, #tpu.memory_space<semaphore_mem>>) src(%dma_wait3A_90 : memref<20480x128xf32, #tpu.memory_space<hbm>>) dst(%dma_wait3A_87 : memref<80x128xf32, #tpu.memory_space<vmem>>)
      %dma_wait3A_91 = arith.constant 80 : i32
      %dma_wait3A_92 = arith.constant 0 : i32
      %dma_wait3A_93 = tpu.memref_slice %arg5[%dma_wait3A_91, %dma_wait3A_92] : memref<400x128xf32, #tpu.memory_space<vmem>> -> memref<80x128xf32, #tpu.memory_space<vmem>>
      %dma_wait3A_94 = arith.constant 0 : i32
      %dma_wait3A_95 = arith.constant 0 : i32
      %dma_wait3A_96 = tpu.memref_slice %arg2[%dma_wait3A_94, %dma_wait3A_95] : memref<20480x128xf32, #tpu.memory_space<hbm>> -> memref<20480x128xf32, #tpu.memory_space<hbm>>
      tpu.wait_indirect_dma semaphore(%arg17 : memref<!tpu.dma_semaphore, #tpu.memory_space<semaphore_mem>>) src(%dma_wait3A_96 : memref<20480x128xf32, #tpu.memory_space<hbm>>) dst(%dma_wait3A_93 : memref<80x128xf32, #tpu.memory_space<vmem>>)
      %dma_wait3A_97 = arith.constant 160 : i32
      %dma_wait3A_98 = arith.constant 0 : i32
      %dma_wait3A_99 = tpu.memref_slice %arg5[%dma_wait3A_97, %dma_wait3A_98] : memref<400x128xf32, #tpu.memory_space<vmem>> -> memref<80x128xf32, #tpu.memory_space<vmem>>
      %dma_wait3A_100 = arith.constant 0 : i32
      %dma_wait3A_101 = arith.constant 0 : i32
      %dma_wait3A_102 = tpu.memref_slice %arg2[%dma_wait3A_100, %dma_wait3A_101] : memref<20480x128xf32, #tpu.memory_space<hbm>> -> memref<20480x128xf32, #tpu.memory_space<hbm>>
      tpu.wait_indirect_dma semaphore(%arg17 : memref<!tpu.dma_semaphore, #tpu.memory_space<semaphore_mem>>) src(%dma_wait3A_102 : memref<20480x128xf32, #tpu.memory_space<hbm>>) dst(%dma_wait3A_99 : memref<80x128xf32, #tpu.memory_space<vmem>>)
      %dma_wait3A_103 = arith.constant 240 : i32
      %dma_wait3A_104 = arith.constant 0 : i32
      %dma_wait3A_105 = tpu.memref_slice %arg5[%dma_wait3A_103, %dma_wait3A_104] : memref<400x128xf32, #tpu.memory_space<vmem>> -> memref<80x128xf32, #tpu.memory_space<vmem>>
      %dma_wait3A_106 = arith.constant 0 : i32
      %dma_wait3A_107 = arith.constant 0 : i32
      %dma_wait3A_108 = tpu.memref_slice %arg2[%dma_wait3A_106, %dma_wait3A_107] : memref<20480x128xf32, #tpu.memory_space<hbm>> -> memref<20480x128xf32, #tpu.memory_space<hbm>>
      tpu.wait_indirect_dma semaphore(%arg17 : memref<!tpu.dma_semaphore, #tpu.memory_space<semaphore_mem>>) src(%dma_wait3A_108 : memref<20480x128xf32, #tpu.memory_space<hbm>>) dst(%dma_wait3A_105 : memref<80x128xf32, #tpu.memory_space<vmem>>)
      %dma_wait3A_109 = arith.constant 320 : i32
      %dma_wait3A_110 = arith.constant 0 : i32
      %dma_wait3A_111 = tpu.memref_slice %arg5[%dma_wait3A_109, %dma_wait3A_110] : memref<400x128xf32, #tpu.memory_space<vmem>> -> memref<80x128xf32, #tpu.memory_space<vmem>>
      %dma_wait3A_112 = arith.constant 0 : i32
      %dma_wait3A_113 = arith.constant 0 : i32
      %dma_wait3A_114 = tpu.memref_slice %arg2[%dma_wait3A_112, %dma_wait3A_113] : memref<20480x128xf32, #tpu.memory_space<hbm>> -> memref<20480x128xf32, #tpu.memory_space<hbm>>
      tpu.wait_indirect_dma semaphore(%arg17 : memref<!tpu.dma_semaphore, #tpu.memory_space<semaphore_mem>>) src(%dma_wait3A_114 : memref<20480x128xf32, #tpu.memory_space<hbm>>) dst(%dma_wait3A_111 : memref<80x128xf32, #tpu.memory_space<vmem>>)
      %mul3A_115 = arith.constant 20000 : i32
      %mul3A_116 = arith.muli %arg1, %mul3A_115 : i32
      %mul3A_117 = arith.constant 400 : i32
      %mul3A_118 = arith.muli %add3A_6, %mul3A_117 : i32
      %add3A_119 = arith.addi %mul3A_116, %mul3A_118 : i32
      %dma_start3A_120 = arith.constant 0 : i32
      %dma_start3A_121 = tpu.memref_slice %arg4[%arg0, %add3A_119, %dma_start3A_120] : memref<2x320000x128xf32, #tpu.memory_space<hbm>> -> memref<1x400x128xf32, #tpu.memory_space<hbm>>
      %dma_start3A_122 = tpu.memref_squeeze %dma_start3A_121 : memref<1x400x128xf32, #tpu.memory_space<hbm>> -> memref<400x128xf32, #tpu.memory_space<hbm>>
      %dma_start3A_123 = arith.constant 0 : i32
      %dma_start3A_124 = tpu.memref_slice %arg4[%arg0, %add3A_119, %dma_start3A_123] : memref<2x320000x128xf32, #tpu.memory_space<hbm>> -> memref<1x400x128xf32, #tpu.memory_space<hbm>>
      %dma_start3A_125 = tpu.memref_squeeze %dma_start3A_124 : memref<1x400x128xf32, #tpu.memory_space<hbm>> -> memref<400x128xf32, #tpu.memory_space<hbm>>
      tpu.enqueue_dma source(%arg5 : memref<400x128xf32, #tpu.memory_space<vmem>>) target(%dma_start3A_125 : memref<400x128xf32, #tpu.memory_space<hbm>>) target_semaphore(%arg17 : memref<!tpu.dma_semaphore, #tpu.memory_space<semaphore_mem>>)
      %add3A_126 = arith.constant 1 : i32
      %add3A_127 = arith.addi %add3A_6, %add3A_126 : i32
      %mul3A_128 = arith.constant 20000 : i32
      %mul3A_129 = arith.muli %arg1, %mul3A_128 : i32
      %mul3A_130 = arith.constant 400 : i32
      %mul3A_131 = arith.muli %add3A_127, %mul3A_130 : i32
      %add3A_132 = arith.addi %mul3A_129, %mul3A_131 : i32
      %mul3A_133 = arith.constant 320000 : i32
      %mul3A_134 = arith.muli %arg0, %mul3A_133 : i32
      %add3A_135 = arith.addi %mul3A_134, %add3A_132 : i32
      %add3A_136 = arith.constant 0 : i32
      %add3A_137 = arith.addi %add3A_135, %add3A_136 : i32
      %dma_start3A_138 = tpu.memref_slice %arg3[%add3A_137] : memref<640000xi32, #tpu.memory_space<hbm>> -> memref<80xi32, #tpu.memory_space<hbm>>
      %dma_start3A_139 = tpu.memref_slice %arg3[%add3A_137] : memref<640000xi32, #tpu.memory_space<hbm>> -> memref<80xi32, #tpu.memory_space<hbm>>
      tpu.enqueue_dma source(%dma_start3A_139 : memref<80xi32, #tpu.memory_space<hbm>>) target(%arg12 : memref<80xi32, #tpu.memory_space<vmem>>) target_semaphore(%arg18 : memref<!tpu.dma_semaphore, #tpu.memory_space<semaphore_mem>>)
      %mul3A_140 = arith.constant 320000 : i32
      %mul3A_141 = arith.muli %arg0, %mul3A_140 : i32
      %add3A_142 = arith.addi %mul3A_141, %add3A_132 : i32
      %add3A_143 = arith.constant 80 : i32
      %add3A_144 = arith.addi %add3A_142, %add3A_143 : i32
      %dma_start3A_145 = tpu.memref_slice %arg3[%add3A_144] : memref<640000xi32, #tpu.memory_space<hbm>> -> memref<80xi32, #tpu.memory_space<hbm>>
      %dma_start3A_146 = tpu.memref_slice %arg3[%add3A_144] : memref<640000xi32, #tpu.memory_space<hbm>> -> memref<80xi32, #tpu.memory_space<hbm>>
      tpu.enqueue_dma source(%dma_start3A_146 : memref<80xi32, #tpu.memory_space<hbm>>) target(%arg13 : memref<80xi32, #tpu.memory_space<vmem>>) target_semaphore(%arg18 : memref<!tpu.dma_semaphore, #tpu.memory_space<semaphore_mem>>)
      %mul3A_147 = arith.constant 320000 : i32
      %mul3A_148 = arith.muli %arg0, %mul3A_147 : i32
      %add3A_149 = arith.addi %mul3A_148, %add3A_132 : i32
      %add3A_150 = arith.constant 160 : i32
      %add3A_151 = arith.addi %add3A_149, %add3A_150 : i32
      %dma_start3A_152 = tpu.memref_slice %arg3[%add3A_151] : memref<640000xi32, #tpu.memory_space<hbm>> -> memref<80xi32, #tpu.memory_space<hbm>>
      %dma_start3A_153 = tpu.memref_slice %arg3[%add3A_151] : memref<640000xi32, #tpu.memory_space<hbm>> -> memref<80xi32, #tpu.memory_space<hbm>>
      tpu.enqueue_dma source(%dma_start3A_153 : memref<80xi32, #tpu.memory_space<hbm>>) target(%arg14 : memref<80xi32, #tpu.memory_space<vmem>>) target_semaphore(%arg18 : memref<!tpu.dma_semaphore, #tpu.memory_space<semaphore_mem>>)
      %mul3A_154 = arith.constant 320000 : i32
      %mul3A_155 = arith.muli %arg0, %mul3A_154 : i32
      %add3A_156 = arith.addi %mul3A_155, %add3A_132 : i32
      %add3A_157 = arith.constant 240 : i32
      %add3A_158 = arith.addi %add3A_156, %add3A_157 : i32
      %dma_start3A_159 = tpu.memref_slice %arg3[%add3A_158] : memref<640000xi32, #tpu.memory_space<hbm>> -> memref<80xi32, #tpu.memory_space<hbm>>
      %dma_start3A_160 = tpu.memref_slice %arg3[%add3A_158] : memref<640000xi32, #tpu.memory_space<hbm>> -> memref<80xi32, #tpu.memory_space<hbm>>
      tpu.enqueue_dma source(%dma_start3A_160 : memref<80xi32, #tpu.memory_space<hbm>>) target(%arg15 : memref<80xi32, #tpu.memory_space<vmem>>) target_semaphore(%arg18 : memref<!tpu.dma_semaphore, #tpu.memory_space<semaphore_mem>>)
      %mul3A_161 = arith.constant 320000 : i32
      %mul3A_162 = arith.muli %arg0, %mul3A_161 : i32
      %add3A_163 = arith.addi %mul3A_162, %add3A_132 : i32
      %add3A_164 = arith.constant 320 : i32
      %add3A_165 = arith.addi %add3A_163, %add3A_164 : i32
      %dma_start3A_166 = tpu.memref_slice %arg3[%add3A_165] : memref<640000xi32, #tpu.memory_space<hbm>> -> memref<80xi32, #tpu.memory_space<hbm>>
      %dma_start3A_167 = tpu.memref_slice %arg3[%add3A_165] : memref<640000xi32, #tpu.memory_space<hbm>> -> memref<80xi32, #tpu.memory_space<hbm>>
      tpu.enqueue_dma source(%dma_start3A_167 : memref<80xi32, #tpu.memory_space<hbm>>) target(%arg16 : memref<80xi32, #tpu.memory_space<vmem>>) target_semaphore(%arg18 : memref<!tpu.dma_semaphore, #tpu.memory_space<semaphore_mem>>)
      %dma_wait3A_168 = tpu.memref_slice %arg3[%add3A_137] : memref<640000xi32, #tpu.memory_space<hbm>> -> memref<80xi32, #tpu.memory_space<hbm>>
      %dma_wait3A_169 = tpu.memref_slice %arg3[%add3A_137] : memref<640000xi32, #tpu.memory_space<hbm>> -> memref<80xi32, #tpu.memory_space<hbm>>
      tpu.wait_dma2 semaphore(%arg18 : memref<!tpu.dma_semaphore, #tpu.memory_space<semaphore_mem>>) src(%dma_wait3A_169 : memref<80xi32, #tpu.memory_space<hbm>>) dst(%arg12 : memref<80xi32, #tpu.memory_space<vmem>>)
      %dma_wait3A_170 = tpu.memref_slice %arg3[%add3A_144] : memref<640000xi32, #tpu.memory_space<hbm>> -> memref<80xi32, #tpu.memory_space<hbm>>
      %dma_wait3A_171 = tpu.memref_slice %arg3[%add3A_144] : memref<640000xi32, #tpu.memory_space<hbm>> -> memref<80xi32, #tpu.memory_space<hbm>>
      tpu.wait_dma2 semaphore(%arg18 : memref<!tpu.dma_semaphore, #tpu.memory_space<semaphore_mem>>) src(%dma_wait3A_171 : memref<80xi32, #tpu.memory_space<hbm>>) dst(%arg13 : memref<80xi32, #tpu.memory_space<vmem>>)
      %dma_wait3A_172 = tpu.memref_slice %arg3[%add3A_151] : memref<640000xi32, #tpu.memory_space<hbm>> -> memref<80xi32, #tpu.memory_space<hbm>>
      %dma_wait3A_173 = tpu.memref_slice %arg3[%add3A_151] : memref<640000xi32, #tpu.memory_space<hbm>> -> memref<80xi32, #tpu.memory_space<hbm>>
      tpu.wait_dma2 semaphore(%arg18 : memref<!tpu.dma_semaphore, #tpu.memory_space<semaphore_mem>>) src(%dma_wait3A_173 : memref<80xi32, #tpu.memory_space<hbm>>) dst(%arg14 : memref<80xi32, #tpu.memory_space<vmem>>)
      %dma_wait3A_174 = tpu.memref_slice %arg3[%add3A_158] : memref<640000xi32, #tpu.memory_space<hbm>> -> memref<80xi32, #tpu.memory_space<hbm>>
      %dma_wait3A_175 = tpu.memref_slice %arg3[%add3A_158] : memref<640000xi32, #tpu.memory_space<hbm>> -> memref<80xi32, #tpu.memory_space<hbm>>
      tpu.wait_dma2 semaphore(%arg18 : memref<!tpu.dma_semaphore, #tpu.memory_space<semaphore_mem>>) src(%dma_wait3A_175 : memref<80xi32, #tpu.memory_space<hbm>>) dst(%arg15 : memref<80xi32, #tpu.memory_space<vmem>>)
      %dma_wait3A_176 = tpu.memref_slice %arg3[%add3A_165] : memref<640000xi32, #tpu.memory_space<hbm>> -> memref<80xi32, #tpu.memory_space<hbm>>
      %dma_wait3A_177 = tpu.memref_slice %arg3[%add3A_165] : memref<640000xi32, #tpu.memory_space<hbm>> -> memref<80xi32, #tpu.memory_space<hbm>>
      tpu.wait_dma2 semaphore(%arg18 : memref<!tpu.dma_semaphore, #tpu.memory_space<semaphore_mem>>) src(%dma_wait3A_177 : memref<80xi32, #tpu.memory_space<hbm>>) dst(%arg16 : memref<80xi32, #tpu.memory_space<vmem>>)
      %dma_start3A_178 = arith.constant 0 : i32
      %dma_start3A_179 = arith.constant 0 : i32
      %dma_start3A_180 = tpu.memref_slice %arg6[%dma_start3A_178, %dma_start3A_179] : memref<400x128xf32, #tpu.memory_space<vmem>> -> memref<80x128xf32, #tpu.memory_space<vmem>>
      %dma_start3A_181 = arith.constant 0 : i32
      %dma_start3A_182 = arith.constant 0 : i32
      %dma_start3A_183 = tpu.memref_slice %arg2[%dma_start3A_181, %dma_start3A_182] : memref<20480x128xf32, #tpu.memory_space<hbm>> -> memref<20480x128xf32, #tpu.memory_space<hbm>>
      tpu.enqueue_indirect_dma source(%dma_start3A_183 : memref<20480x128xf32, #tpu.memory_space<hbm>>) target(%dma_start3A_180 : memref<80x128xf32, #tpu.memory_space<vmem>>) offsets(%arg12 : memref<80xi32, #tpu.memory_space<vmem>>) semaphore(%arg18 : memref<!tpu.dma_semaphore, #tpu.memory_space<semaphore_mem>>)
      %dma_start3A_184 = arith.constant 80 : i32
      %dma_start3A_185 = arith.constant 0 : i32
      %dma_start3A_186 = tpu.memref_slice %arg6[%dma_start3A_184, %dma_start3A_185] : memref<400x128xf32, #tpu.memory_space<vmem>> -> memref<80x128xf32, #tpu.memory_space<vmem>>
      %dma_start3A_187 = arith.constant 0 : i32
      %dma_start3A_188 = arith.constant 0 : i32
      %dma_start3A_189 = tpu.memref_slice %arg2[%dma_start3A_187, %dma_start3A_188] : memref<20480x128xf32, #tpu.memory_space<hbm>> -> memref<20480x128xf32, #tpu.memory_space<hbm>>
      tpu.enqueue_indirect_dma source(%dma_start3A_189 : memref<20480x128xf32, #tpu.memory_space<hbm>>) target(%dma_start3A_186 : memref<80x128xf32, #tpu.memory_space<vmem>>) offsets(%arg13 : memref<80xi32, #tpu.memory_space<vmem>>) semaphore(%arg18 : memref<!tpu.dma_semaphore, #tpu.memory_space<semaphore_mem>>)
      %dma_start3A_190 = arith.constant 160 : i32
      %dma_start3A_191 = arith.constant 0 : i32
      %dma_start3A_192 = tpu.memref_slice %arg6[%dma_start3A_190, %dma_start3A_191] : memref<400x128xf32, #tpu.memory_space<vmem>> -> memref<80x128xf32, #tpu.memory_space<vmem>>
      %dma_start3A_193 = arith.constant 0 : i32
      %dma_start3A_194 = arith.constant 0 : i32
      %dma_start3A_195 = tpu.memref_slice %arg2[%dma_start3A_193, %dma_start3A_194] : memref<20480x128xf32, #tpu.memory_space<hbm>> -> memref<20480x128xf32, #tpu.memory_space<hbm>>
      tpu.enqueue_indirect_dma source(%dma_start3A_195 : memref<20480x128xf32, #tpu.memory_space<hbm>>) target(%dma_start3A_192 : memref<80x128xf32, #tpu.memory_space<vmem>>) offsets(%arg14 : memref<80xi32, #tpu.memory_space<vmem>>) semaphore(%arg18 : memref<!tpu.dma_semaphore, #tpu.memory_space<semaphore_mem>>)
      %dma_start3A_196 = arith.constant 240 : i32
      %dma_start3A_197 = arith.constant 0 : i32
      %dma_start3A_198 = tpu.memref_slice %arg6[%dma_start3A_196, %dma_start3A_197] : memref<400x128xf32, #tpu.memory_space<vmem>> -> memref<80x128xf32, #tpu.memory_space<vmem>>
      %dma_start3A_199 = arith.constant 0 : i32
      %dma_start3A_200 = arith.constant 0 : i32
      %dma_start3A_201 = tpu.memref_slice %arg2[%dma_start3A_199, %dma_start3A_200] : memref<20480x128xf32, #tpu.memory_space<hbm>> -> memref<20480x128xf32, #tpu.memory_space<hbm>>
      tpu.enqueue_indirect_dma source(%dma_start3A_201 : memref<20480x128xf32, #tpu.memory_space<hbm>>) target(%dma_start3A_198 : memref<80x128xf32, #tpu.memory_space<vmem>>) offsets(%arg15 : memref<80xi32, #tpu.memory_space<vmem>>) semaphore(%arg18 : memref<!tpu.dma_semaphore, #tpu.memory_space<semaphore_mem>>)
      %dma_start3A_202 = arith.constant 320 : i32
      %dma_start3A_203 = arith.constant 0 : i32
      %dma_start3A_204 = tpu.memref_slice %arg6[%dma_start3A_202, %dma_start3A_203] : memref<400x128xf32, #tpu.memory_space<vmem>> -> memref<80x128xf32, #tpu.memory_space<vmem>>
      %dma_start3A_205 = arith.constant 0 : i32
      %dma_start3A_206 = arith.constant 0 : i32
      %dma_start3A_207 = tpu.memref_slice %arg2[%dma_start3A_205, %dma_start3A_206] : memref<20480x128xf32, #tpu.memory_space<hbm>> -> memref<20480x128xf32, #tpu.memory_space<hbm>>
      tpu.enqueue_indirect_dma source(%dma_start3A_207 : memref<20480x128xf32, #tpu.memory_space<hbm>>) target(%dma_start3A_204 : memref<80x128xf32, #tpu.memory_space<vmem>>) offsets(%arg16 : memref<80xi32, #tpu.memory_space<vmem>>) semaphore(%arg18 : memref<!tpu.dma_semaphore, #tpu.memory_space<semaphore_mem>>)
      %dma_wait3A_208 = arith.constant 0 : i32
      %dma_wait3A_209 = arith.constant 0 : i32
      %dma_wait3A_210 = tpu.memref_slice %arg6[%dma_wait3A_208, %dma_wait3A_209] : memref<400x128xf32, #tpu.memory_space<vmem>> -> memref<80x128xf32, #tpu.memory_space<vmem>>
      %dma_wait3A_211 = arith.constant 0 : i32
      %dma_wait3A_212 = arith.constant 0 : i32
      %dma_wait3A_213 = tpu.memref_slice %arg2[%dma_wait3A_211, %dma_wait3A_212] : memref<20480x128xf32, #tpu.memory_space<hbm>> -> memref<20480x128xf32, #tpu.memory_space<hbm>>
      tpu.wait_indirect_dma semaphore(%arg18 : memref<!tpu.dma_semaphore, #tpu.memory_space<semaphore_mem>>) src(%dma_wait3A_213 : memref<20480x128xf32, #tpu.memory_space<hbm>>) dst(%dma_wait3A_210 : memref<80x128xf32, #tpu.memory_space<vmem>>)
      %dma_wait3A_214 = arith.constant 80 : i32
      %dma_wait3A_215 = arith.constant 0 : i32
      %dma_wait3A_216 = tpu.memref_slice %arg6[%dma_wait3A_214, %dma_wait3A_215] : memref<400x128xf32, #tpu.memory_space<vmem>> -> memref<80x128xf32, #tpu.memory_space<vmem>>
      %dma_wait3A_217 = arith.constant 0 : i32
      %dma_wait3A_218 = arith.constant 0 : i32
      %dma_wait3A_219 = tpu.memref_slice %arg2[%dma_wait3A_217, %dma_wait3A_218] : memref<20480x128xf32, #tpu.memory_space<hbm>> -> memref<20480x128xf32, #tpu.memory_space<hbm>>
      tpu.wait_indirect_dma semaphore(%arg18 : memref<!tpu.dma_semaphore, #tpu.memory_space<semaphore_mem>>) src(%dma_wait3A_219 : memref<20480x128xf32, #tpu.memory_space<hbm>>) dst(%dma_wait3A_216 : memref<80x128xf32, #tpu.memory_space<vmem>>)
      %dma_wait3A_220 = arith.constant 160 : i32
      %dma_wait3A_221 = arith.constant 0 : i32
      %dma_wait3A_222 = tpu.memref_slice %arg6[%dma_wait3A_220, %dma_wait3A_221] : memref<400x128xf32, #tpu.memory_space<vmem>> -> memref<80x128xf32, #tpu.memory_space<vmem>>
      %dma_wait3A_223 = arith.constant 0 : i32
      %dma_wait3A_224 = arith.constant 0 : i32
      %dma_wait3A_225 = tpu.memref_slice %arg2[%dma_wait3A_223, %dma_wait3A_224] : memref<20480x128xf32, #tpu.memory_space<hbm>> -> memref<20480x128xf32, #tpu.memory_space<hbm>>
      tpu.wait_indirect_dma semaphore(%arg18 : memref<!tpu.dma_semaphore, #tpu.memory_space<semaphore_mem>>) src(%dma_wait3A_225 : memref<20480x128xf32, #tpu.memory_space<hbm>>) dst(%dma_wait3A_222 : memref<80x128xf32, #tpu.memory_space<vmem>>)
      %dma_wait3A_226 = arith.constant 240 : i32
      %dma_wait3A_227 = arith.constant 0 : i32
      %dma_wait3A_228 = tpu.memref_slice %arg6[%dma_wait3A_226, %dma_wait3A_227] : memref<400x128xf32, #tpu.memory_space<vmem>> -> memref<80x128xf32, #tpu.memory_space<vmem>>
      %dma_wait3A_229 = arith.constant 0 : i32
      %dma_wait3A_230 = arith.constant 0 : i32
      %dma_wait3A_231 = tpu.memref_slice %arg2[%dma_wait3A_229, %dma_wait3A_230] : memref<20480x128xf32, #tpu.memory_space<hbm>> -> memref<20480x128xf32, #tpu.memory_space<hbm>>
      tpu.wait_indirect_dma semaphore(%arg18 : memref<!tpu.dma_semaphore, #tpu.memory_space<semaphore_mem>>) src(%dma_wait3A_231 : memref<20480x128xf32, #tpu.memory_space<hbm>>) dst(%dma_wait3A_228 : memref<80x128xf32, #tpu.memory_space<vmem>>)
      %dma_wait3A_232 = arith.constant 320 : i32
      %dma_wait3A_233 = arith.constant 0 : i32
      %dma_wait3A_234 = tpu.memref_slice %arg6[%dma_wait3A_232, %dma_wait3A_233] : memref<400x128xf32, #tpu.memory_space<vmem>> -> memref<80x128xf32, #tpu.memory_space<vmem>>
      %dma_wait3A_235 = arith.constant 0 : i32
      %dma_wait3A_236 = arith.constant 0 : i32
      %dma_wait3A_237 = tpu.memref_slice %arg2[%dma_wait3A_235, %dma_wait3A_236] : memref<20480x128xf32, #tpu.memory_space<hbm>> -> memref<20480x128xf32, #tpu.memory_space<hbm>>
      tpu.wait_indirect_dma semaphore(%arg18 : memref<!tpu.dma_semaphore, #tpu.memory_space<semaphore_mem>>) src(%dma_wait3A_237 : memref<20480x128xf32, #tpu.memory_space<hbm>>) dst(%dma_wait3A_234 : memref<80x128xf32, #tpu.memory_space<vmem>>)
      %add3A_238 = arith.constant 1 : i32
      %add3A_239 = arith.addi %add3A_6, %add3A_238 : i32
      %mul3A_240 = arith.constant 20000 : i32
      %mul3A_241 = arith.muli %arg1, %mul3A_240 : i32
      %mul3A_242 = arith.constant 400 : i32
      %mul3A_243 = arith.muli %add3A_239, %mul3A_242 : i32
      %add3A_244 = arith.addi %mul3A_241, %mul3A_243 : i32
      %dma_start3A_245 = arith.constant 0 : i32
      %dma_start3A_246 = tpu.memref_slice %arg4[%arg0, %add3A_244, %dma_start3A_245] : memref<2x320000x128xf32, #tpu.memory_space<hbm>> -> memref<1x400x128xf32, #tpu.memory_space<hbm>>
      %dma_start3A_247 = tpu.memref_squeeze %dma_start3A_246 : memref<1x400x128xf32, #tpu.memory_space<hbm>> -> memref<400x128xf32, #tpu.memory_space<hbm>>
      %dma_start3A_248 = arith.constant 0 : i32
      %dma_start3A_249 = tpu.memref_slice %arg4[%arg0, %add3A_244, %dma_start3A_248] : memref<2x320000x128xf32, #tpu.memory_space<hbm>> -> memref<1x400x128xf32, #tpu.memory_space<hbm>>
      %dma_start3A_250 = tpu.memref_squeeze %dma_start3A_249 : memref<1x400x128xf32, #tpu.memory_space<hbm>> -> memref<400x128xf32, #tpu.memory_space<hbm>>
      tpu.enqueue_dma source(%arg6 : memref<400x128xf32, #tpu.memory_space<vmem>>) target(%dma_start3A_250 : memref<400x128xf32, #tpu.memory_space<hbm>>) target_semaphore(%arg18 : memref<!tpu.dma_semaphore, #tpu.memory_space<semaphore_mem>>)
      %dma_wait3A_251 = arith.constant 0 : i32
      %dma_wait3A_252 = tpu.memref_slice %arg4[%arg0, %add3A_119, %dma_wait3A_251] : memref<2x320000x128xf32, #tpu.memory_space<hbm>> -> memref<1x400x128xf32, #tpu.memory_space<hbm>>
      %dma_wait3A_253 = tpu.memref_squeeze %dma_wait3A_252 : memref<1x400x128xf32, #tpu.memory_space<hbm>> -> memref<400x128xf32, #tpu.memory_space<hbm>>
      %dma_wait3A_254 = arith.constant 0 : i32
      %dma_wait3A_255 = tpu.memref_slice %arg4[%arg0, %add3A_119, %dma_wait3A_254] : memref<2x320000x128xf32, #tpu.memory_space<hbm>> -> memref<1x400x128xf32, #tpu.memory_space<hbm>>
      %dma_wait3A_256 = tpu.memref_squeeze %dma_wait3A_255 : memref<1x400x128xf32, #tpu.memory_space<hbm>> -> memref<400x128xf32, #tpu.memory_space<hbm>>
      tpu.wait_dma2 semaphore(%arg17 : memref<!tpu.dma_semaphore, #tpu.memory_space<semaphore_mem>>) src(%arg5 : memref<400x128xf32, #tpu.memory_space<vmem>>) dst(%dma_wait3A_256 : memref<400x128xf32, #tpu.memory_space<hbm>>)
      %dma_wait3A_257 = arith.constant 0 : i32
      %dma_wait3A_258 = tpu.memref_slice %arg4[%arg0, %add3A_244, %dma_wait3A_257] : memref<2x320000x128xf32, #tpu.memory_space<hbm>> -> memref<1x400x128xf32, #tpu.memory_space<hbm>>
      %dma_wait3A_259 = tpu.memref_squeeze %dma_wait3A_258 : memref<1x400x128xf32, #tpu.memory_space<hbm>> -> memref<400x128xf32, #tpu.memory_space<hbm>>
      %dma_wait3A_260 = arith.constant 0 : i32
      %dma_wait3A_261 = tpu.memref_slice %arg4[%arg0, %add3A_244, %dma_wait3A_260] : memref<2x320000x128xf32, #tpu.memory_space<hbm>> -> memref<1x400x128xf32, #tpu.memory_space<hbm>>
      %dma_wait3A_262 = tpu.memref_squeeze %dma_wait3A_261 : memref<1x400x128xf32, #tpu.memory_space<hbm>> -> memref<400x128xf32, #tpu.memory_space<hbm>>
      tpu.wait_dma2 semaphore(%arg18 : memref<!tpu.dma_semaphore, #tpu.memory_space<semaphore_mem>>) src(%arg6 : memref<400x128xf32, #tpu.memory_space<vmem>>) dst(%dma_wait3A_262 : memref<400x128xf32, #tpu.memory_space<hbm>>)
    }
    %scan3A_3 = arith.constant 25 : i32
    return
  }
}

module attributes {stable_mosaic.version = 14 : i64} {
  func.func @_tables_kernel(%arg0: memref<2x10240x128xf32, #tpu.memory_space<vmem>>, %arg1: memref<2x10240x128xf32, #tpu.memory_space<vmem>>, %arg2: memref<4x128x128xf32, #tpu.memory_space<vmem>>, %arg3: memref<1x128xf32, #tpu.memory_space<vmem>>, %arg4: memref<2x10240x128xf32, #tpu.memory_space<vmem>>) attributes {dimension_semantics = [], scalar_prefetch = 0 : i64, scratch_operands = 0 : i64, tpu.core_type = #tpu.core_type<tc>} {
    %get3A = arith.constant 0 : index
    %get3A_0 = arith.constant 0 : index
    %get3A_1 = arith.constant 0 : index
    %get3A_2 = vector.load %arg1[%get3A, %get3A_0, %get3A_1] : memref<2x10240x128xf32, #tpu.memory_space<vmem>>, vector<1x10240x1xf32>
    %get3A_3 = vector.shape_cast %get3A_2 : vector<1x10240x1xf32> to vector<10240x1xf32>
    %max3A = arith.constant 1.000000e+00 : f32
    %max3A_4 = vector.broadcast %max3A : f32 to vector<10240x1xf32>
    %max3A_5 = arith.maximumf %get3A_3, %max3A_4 : vector<10240x1xf32>
    %get3A_6 = arith.constant 1 : index
    %get3A_7 = arith.constant 0 : index
    %get3A_8 = arith.constant 0 : index
    %get3A_9 = vector.load %arg1[%get3A_6, %get3A_7, %get3A_8] : memref<2x10240x128xf32, #tpu.memory_space<vmem>>, vector<1x10240x1xf32>
    %get3A_10 = vector.shape_cast %get3A_9 : vector<1x10240x1xf32> to vector<10240x1xf32>
    %max3A_11 = arith.constant 1.000000e+00 : f32
    %max3A_12 = vector.broadcast %max3A_11 : f32 to vector<10240x1xf32>
    %max3A_13 = arith.maximumf %get3A_10, %max3A_12 : vector<10240x1xf32>
    %get3A_14 = arith.constant 0 : index
    %get3A_15 = arith.constant 0 : index
    %get3A_16 = arith.constant 0 : index
    %get3A_17 = vector.load %arg0[%get3A_14, %get3A_15, %get3A_16] : memref<2x10240x128xf32, #tpu.memory_space<vmem>>, vector<1x10240x128xf32>
    %get3A_18 = vector.shape_cast %get3A_17 : vector<1x10240x128xf32> to vector<10240x128xf32>
    %div3A = vector.broadcast %max3A_5 : vector<10240x1xf32> to vector<10240x128xf32>
    %div3A_19 = arith.divf %get3A_18, %div3A : vector<10240x128xf32>
    %get3A_20 = arith.constant 1 : index
    %get3A_21 = arith.constant 0 : index
    %get3A_22 = arith.constant 0 : index
    %get3A_23 = vector.load %arg0[%get3A_20, %get3A_21, %get3A_22] : memref<2x10240x128xf32, #tpu.memory_space<vmem>>, vector<1x10240x128xf32>
    %get3A_24 = vector.shape_cast %get3A_23 : vector<1x10240x128xf32> to vector<10240x128xf32>
    %div3A_25 = vector.broadcast %max3A_13 : vector<10240x1xf32> to vector<10240x128xf32>
    %div3A_26 = arith.divf %get3A_24, %div3A_25 : vector<10240x128xf32>
    %get3A_27 = arith.constant 0 : index
    %get3A_28 = arith.constant 0 : index
    %get3A_29 = arith.constant 0 : index
    %get3A_30 = vector.load %arg0[%get3A_27, %get3A_28, %get3A_29] : memref<2x10240x128xf32, #tpu.memory_space<vmem>>, vector<1x10240x128xf32>
    %get3A_31 = vector.shape_cast %get3A_30 : vector<1x10240x128xf32> to vector<10240x128xf32>
    %reduce_sum3A = arith.constant dense<0.000000e+00> : vector<128xf32>
    %reduce_sum3A_32 = vector.multi_reduction <add>, %get3A_31, %reduce_sum3A [0] : vector<10240x128xf32> to vector<128xf32>
    %broadcast_in_dim3A = vector.shape_cast %reduce_sum3A_32 : vector<128xf32> to vector<1x128xf32>
    %mul3A = arith.constant 3.125000e-06 : f32
    %mul3A_33 = vector.broadcast %mul3A : f32 to vector<1x128xf32>
    %mul3A_34 = arith.mulf %broadcast_in_dim3A, %mul3A_33 : vector<1x128xf32>
    %get3A_35 = arith.constant 3 : index
    %get3A_36 = arith.constant 0 : index
    %get3A_37 = arith.constant 0 : index
    %get3A_38 = vector.load %arg2[%get3A_35, %get3A_36, %get3A_37] : memref<4x128x128xf32, #tpu.memory_space<vmem>>, vector<1x128x128xf32>
    %get3A_39 = vector.shape_cast %get3A_38 : vector<1x128x128xf32> to vector<128x128xf32>
    %dot_general3A = arith.constant dense<0.000000e+00> : vector<1x128xf32>
    %dot_general3A_40 = tpu.matmul %mul3A_34, %get3A_39, %dot_general3A {dimension_numbers = #tpu.dot_dimension_numbers<[1], [0], [0], [1], [0, 0, 1, 1], [], []>, transpose_lhs_hint = false} : vector<1x128xf32>, vector<128x128xf32>, vector<1x128xf32> -> vector<1x128xf32>
    %get3A_41 = arith.constant 0 : index
    %get3A_42 = arith.constant 0 : index
    %get3A_43 = vector.load %arg3[%get3A_41, %get3A_42] : memref<1x128xf32, #tpu.memory_space<vmem>>, vector<1x128xf32>
    %add3A = arith.addf %dot_general3A_40, %get3A_43 : vector<1x128xf32>
    %get3A_44 = arith.constant 1 : index
    %get3A_45 = arith.constant 0 : index
    %get3A_46 = arith.constant 0 : index
    %get3A_47 = vector.load %arg2[%get3A_44, %get3A_45, %get3A_46] : memref<4x128x128xf32, #tpu.memory_space<vmem>>, vector<1x128x128xf32>
    %get3A_48 = vector.shape_cast %get3A_47 : vector<1x128x128xf32> to vector<128x128xf32>
    %dot_general3A_49 = arith.constant dense<0.000000e+00> : vector<10240x128xf32>
    %dot_general3A_50 = tpu.matmul %div3A_19, %get3A_48, %dot_general3A_49 {dimension_numbers = #tpu.dot_dimension_numbers<[1], [0], [0], [1], [0, 0, 1, 1], [], []>, transpose_lhs_hint = false} : vector<10240x128xf32>, vector<128x128xf32>, vector<10240x128xf32> -> vector<10240x128xf32>
    %add3A_51 = vector.broadcast %add3A : vector<1x128xf32> to vector<10240x128xf32>
    %add3A_52 = arith.addf %dot_general3A_50, %add3A_51 : vector<10240x128xf32>
    %swap3A = arith.constant 0 : index
    %swap3A_53 = arith.constant 0 : index
    %swap3A_54 = arith.constant 0 : index
    %swap3A_55 = vector.load %arg4[%swap3A, %swap3A_53, %swap3A_54] : memref<2x10240x128xf32, #tpu.memory_space<vmem>>, vector<1x10240x128xf32>
    %swap3A_56 = vector.shape_cast %swap3A_55 : vector<1x10240x128xf32> to vector<10240x128xf32>
    %swap3A_57 = vector.shape_cast %add3A_52 : vector<10240x128xf32> to vector<1x10240x128xf32>
    tpu.vector_store %arg4[%swap3A, %swap3A_53, %swap3A_54], %swap3A_57 {strides = array<i32>} : memref<2x10240x128xf32, #tpu.memory_space<vmem>>, vector<1x10240x128xf32>,
    %get3A_58 = arith.constant 2 : index
    %get3A_59 = arith.constant 0 : index
    %get3A_60 = arith.constant 0 : index
    %get3A_61 = vector.load %arg2[%get3A_58, %get3A_59, %get3A_60] : memref<4x128x128xf32, #tpu.memory_space<vmem>>, vector<1x128x128xf32>
    %get3A_62 = vector.shape_cast %get3A_61 : vector<1x128x128xf32> to vector<128x128xf32>
    %dot_general3A_63 = arith.constant dense<0.000000e+00> : vector<10240x128xf32>
    %dot_general3A_64 = tpu.matmul %div3A_26, %get3A_62, %dot_general3A_63 {dimension_numbers = #tpu.dot_dimension_numbers<[1], [0], [0], [1], [0, 0, 1, 1], [], []>, transpose_lhs_hint = false} : vector<10240x128xf32>, vector<128x128xf32>, vector<10240x128xf32> -> vector<10240x128xf32>
    %swap3A_65 = arith.constant 1 : index
    %swap3A_66 = arith.constant 0 : index
    %swap3A_67 = arith.constant 0 : index
    %swap3A_68 = vector.load %arg4[%swap3A_65, %swap3A_66, %swap3A_67] : memref<2x10240x128xf32, #tpu.memory_space<vmem>>, vector<1x10240x128xf32>
    %swap3A_69 = vector.shape_cast %swap3A_68 : vector<1x10240x128xf32> to vector<10240x128xf32>
    %swap3A_70 = vector.shape_cast %dot_general3A_64 : vector<10240x128xf32> to vector<1x10240x128xf32>
    tpu.vector_store %arg4[%swap3A_65, %swap3A_66, %swap3A_67], %swap3A_70 {strides = array<i32>} : memref<2x10240x128xf32, #tpu.memory_space<vmem>>, vector<1x10240x128xf32>,
    return
  }
}

module attributes {stable_mosaic.version = 14 : i64} {
  func.func @_final_kernel(%arg0: i32, %arg1: memref<2000x128xf32, #tpu.memory_space<vmem>>, %arg2: memref<1x2000x128xf32, #tpu.memory_space<vmem>>, %arg3: memref<1x2000x128xf32, #tpu.memory_space<vmem>>, %arg4: memref<128x128xf32, #tpu.memory_space<vmem>>, %arg5: memref<2000x128xf32, #tpu.memory_space<vmem>>) attributes {dimension_semantics = [#tpu.dimension_semantics<arbitrary>], iteration_bounds = array<i64: 160>, scalar_prefetch = 0 : i64, scratch_operands = 0 : i64, tpu.core_type = #tpu.core_type<tc>, window_params = [{transform_indices = @transform_0, window_bounds = array<i64: 2000, 128>}, {transform_indices = @transform_1, window_bounds = array<i64: 1, 2000, 128>}, {transform_indices = @transform_2, window_bounds = array<i64: 1, 2000, 128>}, {pipeline_mode = #tpu.pipeline_mode<synchronous>, transform_indices = @transform_3, window_bounds = array<i64: 128, 128>}, {transform_indices = @transform_4, window_bounds = array<i64: 2000, 128>}]} {
    %get3A = arith.constant 0 : index
    %get3A_0 = arith.constant 0 : index
    %get3A_1 = vector.load %arg1[%get3A, %get3A_0] : memref<2000x128xf32, #tpu.memory_space<vmem>>, vector<2000x128xf32>
    %get3A_2 = arith.constant 0 : index
    %get3A_3 = arith.constant 0 : index
    %get3A_4 = vector.load %arg4[%get3A_2, %get3A_3] : memref<128x128xf32, #tpu.memory_space<vmem>>, vector<128x128xf32>
    %dot_general3A = arith.constant dense<0.000000e+00> : vector<2000x128xf32>
    %dot_general3A_5 = tpu.matmul %get3A_1, %get3A_4, %dot_general3A {dimension_numbers = #tpu.dot_dimension_numbers<[1], [0], [0], [1], [0, 0, 1, 1], [], []>, transpose_lhs_hint = false} : vector<2000x128xf32>, vector<128x128xf32>, vector<2000x128xf32> -> vector<2000x128xf32>
    %get3A_6 = arith.constant 0 : index
    %get3A_7 = arith.constant 0 : index
    %get3A_8 = arith.constant 0 : index
    %get3A_9 = vector.load %arg2[%get3A_6, %get3A_7, %get3A_8] : memref<1x2000x128xf32, #tpu.memory_space<vmem>>, vector<1x2000x128xf32>
    %get3A_10 = vector.shape_cast %get3A_9 : vector<1x2000x128xf32> to vector<2000x128xf32>
    %add3A = arith.addf %dot_general3A_5, %get3A_10 : vector<2000x128xf32>
    %get3A_11 = arith.constant 0 : index
    %get3A_12 = arith.constant 0 : index
    %get3A_13 = arith.constant 0 : index
    %get3A_14 = vector.load %arg3[%get3A_11, %get3A_12, %get3A_13] : memref<1x2000x128xf32, #tpu.memory_space<vmem>>, vector<1x2000x128xf32>
    %get3A_15 = vector.shape_cast %get3A_14 : vector<1x2000x128xf32> to vector<2000x128xf32>
    %add3A_16 = arith.addf %add3A, %get3A_15 : vector<2000x128xf32>
    %swap3A = arith.constant 0 : index
    %swap3A_17 = arith.constant 0 : index
    %swap3A_18 = vector.load %arg5[%swap3A, %swap3A_17] : memref<2000x128xf32, #tpu.memory_space<vmem>>, vector<2000x128xf32>
    tpu.vector_store %arg5[%swap3A, %swap3A_17], %add3A_16 {strides = array<i32>} : memref<2000x128xf32, #tpu.memory_space<vmem>>, vector<2000x128xf32>,
    return
  }
  func.func @transform_0(%arg0: i32) -> (i32, i32) {
    %c0_i32 = arith.constant 0 : i32
    %c0_i32_0 = arith.constant 0 : i32
    return %arg0, %c0_i32 : i32, i32
  }
  func.func @transform_1(%arg0: i32) -> (i32, i32, i32) {
    %c0_i32 = arith.constant 0 : i32
    %c0_i32_0 = arith.constant 0 : i32
    %c0_i32_1 = arith.constant 0 : i32
    return %c0_i32, %arg0, %c0_i32_0 : i32, i32, i32
  }
  func.func @transform_2(%arg0: i32) -> (i32, i32, i32) {
    %c1_i32 = arith.constant 1 : i32
    %c0_i32 = arith.constant 0 : i32
    %c0_i32_0 = arith.constant 0 : i32
    return %c1_i32, %arg0, %c0_i32 : i32, i32, i32
  }
  func.func @transform_3(%arg0: i32) -> (i32, i32) {
    %c0_i32 = arith.constant 0 : i32
    %c0_i32_0 = arith.constant 0 : i32
    %c0_i32_1 = arith.constant 0 : i32
    return %c0_i32, %c0_i32_0 : i32, i32
  }
  func.func @transform_4(%arg0: i32) -> (i32, i32) {
    %c0_i32 = arith.constant 0 : i32
    %c0_i32_0 = arith.constant 0 : i32
    return %arg0, %c0_i32 : i32, i32
  }
}

</mosaic_0001>

<sc_bundles>
// kernel: kernel.10.cloned.1.call-start
scs
__scs_entry_jumppad:
0x0: {  	(pc) =	sbr.rel $0x88, $3  }
0x1: {  	(tag) =	ssettag $0x0;
	lr =	simm.s32 $0x1  }
0x2: {  	[smem:$0x3F9C] =	sst lr;
	_ =	strace $0xD0000000  }
0x3: {  	_ = 	snop  }
0x4: {  	_ = 	snop  }
0x5: {  	_ = 	snop  }
0x6: {  	_ = 	snop  }
0x7: {  	_ = 	snop  }
__scs_overlays_trampoline_lowered:
0x8: {  	[smem:$0x3FAB] =	sst s0  }
0x9: {  	[smem:$0x3FAC] =	sst s1  }
0xa: {  	[smem:$0x3FAD] =	sst s2  }
0xb: {  	[smem:$0x3FAE] =	sst s3  }
0xc: {  	[smem:$0x3FAF] =	sst s4  }
0xd: {  	[smem:$0x3FB0] =	sst s5  }
0xe: {  	[smem:$0x3FB1] =	sst s6  }
0xf: {  	[smem:$0x3FB2] =	sst s7  }
0x10: {  	[smem:$0x3FB3] =	sst s8  }
0x11: {  	[smem:$0x3FB4] =	sst s9;
	s0 =	simm.s32 @!p0 $0x0  }
0x12: {  	s1 =	sld [smem:$0x3F9A];
	s0 =	simm.s32 @p0 $0x1  }
0x13: {  	[smem:$0x3FB5] =	sst s0;
	s0 =	simm.s32 @!p1 $0x0  }
0x14: {  	s2 =	sld [smem:$0x3F99];
	s0 =	simm.s32 @p1 $0x1  }
0x15: {  	[smem:$0x3FB6] =	sst s0;
	s0 =	simm.s32 @!p2 $0x0  }
0x16: {  	s3 =	sld [smem:$0x3FDB];
	s0 =	simm.s32 @p2 $0x1  }
0x17: {  	s4 =	simm.s32 $0x1BF5;
	[smem:$0x3FB8] =	sst s0  }
0x18: {  	s0 =	sld [smem:$0x3F9B];
	_ =	swait.ge [sflag:s4], $0x0  }
0x19: {  	s7 =	sld [smem:$0x3F9C]  }
0x1a: {  	s8 =	sadd.s32 $0xFFFFE003, lr  }
0x1b: {  	s9 =	sadd.s32 $0xFFFFFEF7, lr;
	s5 =	simm.s32 $0xFFFFFFFF;
	p2 =	slt.u32 s8, $0xFFFFF086  }
0x1c: {  	p1 =	slt.u32 s9, $0xF7A;
	s5 =	simm.s32 @!p2 $0x0  }
0x1d: {  	s5 =	simm.s32 @p1 $0x1;
	p0 =	seq.s32 s7, s2  }
0x1e: {  	s7 =	smul.u32 @!p0 $0xF7A, s2;
	p2 =	seq.s32 @!p0 s5, $0x0  }
0x1f: {  	s9 =	smul.u32 $0xF7A, s1;
	s8 =	simm.s32 @!p0 $0x1BF5;
	p2 =	por !p2, p0  }
0x20: {  	[sflag:s8] =	ssyncset.s32 @!p0 $0xFFFFF086;
	s6 =	sadd.s32 @!p0 s3, s7;
	s7 =	simm.s32 @!p0 $0x108  }
0x21: {  	s3 =	sadd.s32 s3, s9;
	s6 =	sadd.s32 @!p0 $0x88, s6;
	s7 =	simm.s32 @p2 $0x1082  }
0x22: {  	[simem:s7], [sflag:s8] =	dma.local @!p0 [hbm:s6], $0xF7A  }
0x23: {  	s9 =	sor.u32 $0xD0000000, s2;
	s6 =	simm.s32 $0x108;
	_ =	swait.ge @!p0 [sflag:s8], $0x0  }
0x24: {  	s3 =	sadd.s32 $0x88, s3;
	s6 =	simm.s32 @!p1 $0x1082;
	[sflag:s4] =	ssyncset.s32 $0xFFFFF086  }
0x25: {  	[simem:s6], [sflag:s4] =	dma.local [hbm:s3], $0xF7A  }
0x26: {  	[smem:$0x3F9C] =	sst s1;
	(tag) =	ssettag s2;
	_ =	strace s9  }
0x27: {  	s1 =	sld [smem:$0x3FAC]  }
0x28: {  	s2 =	sld [smem:$0x3FAD]  }
0x29: {  	s4 =	sld [smem:$0x3FAF]  }
0x2a: {  	p0 =	seq.s32 s5, $0x0;
	s5 =	sld [smem:$0x3FB0]  }
0x2b: {  	s6 =	sld [smem:$0x3FB1]  }
0x2c: {  	s7 =	sld [smem:$0x3FB2]  }
0x2d: {  	s3 =	simm.s32 $0x108;
	s8 =	sld [smem:$0x3FB3]  }
0x2e: {  	s3 =	simm.s32 @!p0 $0x1082;
	s9 =	sld [smem:$0x3FB4]  }
0x2f: {  	lr =	sadd.s32 s0, s3;
	s0 =	sld [smem:$0x3FAB]  }
0x30: {  	s3 =	sld [smem:$0x3FAE]  }
0x31: {  	[smem:$0x3FB7] =	sst s10  }
0x32: {  	s10 =	sld [smem:$0x3FB5];
	_ =	sdelay $0x3  }
0x33: {  	p0 =	seq.s32 s10, $0x1;
	s10 =	sld [smem:$0x3FB7];
	_ =	sdelay $0x3  }
0x34: {  	[smem:$0x3FB7] =	sst s10  }
0x35: {  	s10 =	sld [smem:$0x3FB6];
	_ =	sdelay $0x3  }
0x36: {  	p1 =	seq.s32 s10, $0x1;
	s10 =	sld [smem:$0x3FB7];
	_ =	sdelay $0x3  }
0x37: {  	[smem:$0x3FB7] =	sst s10  }
0x38: {  	s10 =	sld [smem:$0x3FB8]  }
0x39: {  	_ = 	snop;
	(pc) =	sbr.ind lr, $3  }
0x3a: {  	_ = 	snop  }
0x3b: {  	_ = 	snop  }
0x3c: {  	p2 =	seq.s32 s10, $0x1;
	s10 =	sld [smem:$0x3FB7]  }
0x3d: {  	_ =	shalt  }
0x3e: {  	_ =	shalt  }
0x3f: {  	_ =	shalt  }
0x40: {  	_ =	shalt  }
0x41: {  	_ =	shalt  }
0x42: {  	_ =	shalt  }
0x43: {  	_ =	shalt  }
0x44: {  	_ =	shalt  }
0x45: {  	_ =	shalt  }
0x46: {  	_ =	shalt  }
0x47: {  	_ =	shalt  }
0x48: {  	_ =	shalt  }
0x49: {  	_ =	shalt  }
0x4a: {  	_ =	shalt  }
0x4b: {  	_ =	shalt  }
0x4c: {  	_ =	shalt  }
0x4d: {  	_ =	shalt  }
0x4e: {  	_ =	shalt  }
0x4f: {  	_ =	shalt  }
0x50: {  	_ =	shalt  }
0x51: {  	_ =	shalt  }
0x52: {  	_ =	shalt  }
0x53: {  	_ =	shalt  }
0x54: {  	_ =	shalt  }
0x55: {  	_ =	shalt  }
0x56: {  	_ =	shalt  }
0x57: {  	_ =	shalt  }
0x58: {  	_ =	shalt  }
0x59: {  	_ =	shalt  }
0x5a: {  	_ =	shalt  }
0x5b: {  	_ =	shalt  }
0x5c: {  	_ =	shalt  }
0x5d: {  	_ =	shalt  }
0x5e: {  	_ =	shalt  }
0x5f: {  	_ =	shalt  }
0x60: {  	_ =	shalt  }
0x61: {  	_ =	shalt  }
0x62: {  	_ =	shalt  }
0x63: {  	_ =	shalt  }
0x64: {  	_ =	shalt  }
0x65: {  	_ =	shalt  }
0x66: {  	_ =	shalt  }
0x67: {  	_ =	shalt  }
0x68: {  	_ =	shalt  }
0x69: {  	_ =	shalt  }
0x6a: {  	_ =	shalt  }
0x6b: {  	_ =	shalt  }
0x6c: {  	_ =	shalt  }
0x6d: {  	_ =	shalt  }
0x6e: {  	_ =	shalt  }
0x6f: {  	_ =	shalt  }
0x70: {  	_ =	shalt  }
0x71: {  	_ =	shalt  }
0x72: {  	_ =	shalt  }
0x73: {  	_ =	shalt  }
0x74: {  	_ =	shalt  }
0x75: {  	_ =	shalt  }
0x76: {  	_ =	shalt  }
0x77: {  	_ =	shalt  }
0x78: {  	_ =	shalt  }
0x79: {  	_ =	shalt  }
0x7a: {  	_ =	shalt  }
0x7b: {  	_ =	shalt  }
0x7c: {  	_ =	shalt  }
0x7d: {  	_ =	shalt  }
0x7e: {  	_ =	shalt  }
0x7f: {  	_ =	shalt  }
0x80: {  	_ =	shalt  }
0x81: {  	_ =	shalt  }
0x82: {  	_ =	shalt  }
0x83: {  	_ =	shalt  }
0x84: {  	_ =	shalt  }
0x85: {  	_ =	shalt  }
0x86: {  	_ =	shalt  }
0x87: {  	_ =	shalt  }
.Lfunc_end0:
.L_simem_size_0:
called_computation.1_lowered:
.L_overlay_start_0:
0x88: {  	s2 =	sld [smem:$0x3FD9]  }
0x89: {  	s3 =	sld [smem:$0x3FFE];
	_ =	sdelay $0x1  }
0x8a: {  	s1 =	srdreg.scid  }
0x8b: {  	s0 =	sand.u32 $0x1, s1  }
0x8c: {  	s16 =	sshll.u32 s0, $0xA;
	s2 =	sadd.s32 s3, s2  }
0x8d: {  	s2 =	sadd.s32 s2, s16  }
0x8e: {  	[smem:$0x3FC3] =	sst s2  }
0x8f: {  	_ = 	snop  }
0x90: {  	(tm) =	ssettm $0x1  }
0x91: {  	s17 =	sld [smem:$0x3FFB];
	_ =	sdelay $0x3  }
0x92: {  	_ =	strace s17  }
0x93: {  	s2 =	sld [smem:$0x3FFC];
	_ =	sdelay $0x3  }
0x94: {  	_ =	strace s2  }
0x95: {  	s2 =	sld [smem:$0x3FFD];
	_ =	sdelay $0x3  }
0x96: {  	_ =	strace s2  }
0x97: {  	_ =	strace $0x8FFFFFFF  }
0x98: {  	s18 =	sld [smem:$0x3FDB];
	_ =	sdelay $0x1  }
0x99: {  	s19 =	simm.s32 $_scs_section_size  }
0x9a: {  	s4 =	simm.s32 $_size__tile_overlayer_lowered;
	s5 =	simm.s32 $_tile_overlayer_lowered  }
0x9b: {  	s22 =	simm.s32 $0x1BFF;
	s21 =	sshll.u32 s5, $0x1;
	s2 =	sadd.s32 s19, s18  }
0x9c: {  	s6 =	simm.s32 $0x0;
	s20 =	sshll.u32 s4, $0x1;
	s4 =	sadd.s32 s21, s2  }
0x9d: {  	[timem:s6], [sflag:s22] =	dma.local [hbm:s4], s20  }
0x9e: {  	_ =	swait.ge [sflag:s22], s20  }
0x9f: {  	s3 =	ssub.s32 $0x0, s20;
	[sflag:s22] =	ssyncset.done $0x0  }
0xa0: {  	[sflag:s22] =	ssyncadd.s32 s3;
	_ =	sdelay $0x1  }
0xa1: {  	s23 =	simm.s32 $0x1B8B  }
0xa2: {  	_ =	swait.ge [sflag:s23], $0x1  }
0xa3: {  	[sflag:s23] =	ssyncset.done $0x0  }
0xa4: {  	s25 =	simm.s32 $0x1B8E;
	s24 =	sld [smem:$0x3FFE];
	[sflag:s23] =	ssyncadd.s32 $0xFFFFFFFF  }
0xa5: {  	s26 =	simm.s32 $execute0_lowered;
	[smem:$0x3FD2] =	sst s25  }
0xa6: {  	s4 =	sshll.u32 s26, $0x1;
	_ =	strace $0x80000046;
	[dreg:$0x1] =	wrdreg $0xFFFFFFFF  }
0xa7: {  	s28 =	simm.s32 $_size_execute0_lowered;
	s2 =	sadd.s32 s2, s4;
	[dreg:$0x0] =	wrdreg $0x0  }
0xa8: {  	s4 =	sshll.u32 s28, $0x1;
	[dreg:$0x2] =	wrdreg s2  }
0xa9: {  	[dreg:$0x3] =	wrdreg s4  }
0xaa: {  	[dreg:$0x4] =	wrdreg $0xC0  }
0xab: {  	_ =	task [dreg:s6], $0x5FFFF  }
0xac: {  	[dreg:$0x1] =	wrdreg $0xFFFFFFFF  }
0xad: {  	[dreg:$0x0] =	wrdreg $0x60  }
0xae: {  	[dreg:$0x2] =	wrdreg s24  }
0xaf: {  	[dreg:$0x3] =	wrdreg $0x2A000  }
0xb0: {  	[dreg:$0x4] =	wrdreg $0xA  }
0xb1: {  	_ =	task.clear_ibuf [dreg:s6], $0x5FFFF;
	_ =	strace $0x90000046  }
0xb2: {  	s29 =	simm.s32 $0xA;
	_ =	strace $0x80000048  }
0xb3: {  	_ =	swait.ge [sflag:s29], $0x1  }
0xb4: {  	[sflag:s29] =	ssyncadd.s32 $0xFFFFFFFF  }
0xb5: {  	_ =	strace $0x90000048  }
0xb6: {  	_ =	sfence  }
0xb7: {  	s30 =	sld [smem:$0x0];
	_ =	sdelay $0x2  }
0xb8: {  	s31 =	sshll.u32 s1, $0xD;
	s1 =	sshrl.u32 s1, $0x2  }
0xb9: {  	s3 =	sand.u32 $0x4000, s31;
	s1 =	sadd.s32 s1, s30  }
0xba: {  	s0 =	sor.u32 s3, s0;
	s1 =	sshll.u32 s1, $0x11  }
0xbb: {  	s0 =	sor.u32 s1, s0  }
0xbc: {  	s0 =	sadd.s32 $0x8F2B, s0  }
0xbd: {  	[sflag:s0] =	ssyncadd.remote.s32 $0x1  }
0xbe: {  	_ =	sfence.sel $0xFFFF  }
0xbf: {  	[dreg:$0x0] =	wrdreg $0xFFFFFFFF;
	(pc) =	sbr.abs _section_cstart, $3  }
0xc0: {  	[dreg:$0x1] =	wrdreg $0xFFFFFFFF  }
0xc1: {  	_ =	task.clear_ibuf [dreg:s6], $0x2FFFF;
	_ =	strace $0x9FFFFFFF  }
0xc2: {  	(tm) =	ssettm $0x7FFFFFFF  }
0xc3: {  	_ =	shalt  }
tec
execute0_lowered:
.L_overlay_start_1:
0x0: {  	(tag) =	ssettag $0x1  }
0x1: {  	s5 =	rddreg [dreg:$0x0]  }
0x2: {  	s2 =	rddreg [dreg:$0x1]  }
0x3: {  	s0 =	rddreg [dreg:$0x2];
	s1 =	stileid.u32  }
0x4: {  	s4 =	srdreg.scid;
	s3 =	simm.s32 $0x0;
	s17 =	simm.s32 $0x2800  }
0x5: {  	s18 =	simm.s32 $0x2880;
	s19 =	simm.s32 $0x1;
	s6 =	smul.u32 $0x14000, s1  }
0x6: {  	s20 =	simm.s32 $0x50;
	s21 =	simm.s32 $0x2900;
	s8 =	smul.u32 $0x4E20, s1  }
0x7: {  	s22 =	simm.s32 $0x2980;
	s7 =	sand.u32 $0x1, s4;
	s11 =	smul.u32 $0x50000, s1  }
0x8: {  	[smem:$0x7FF] =	sst s3;
	s13 =	sadd.s32 $0x1C00, s5;
	s4 =	smul.u32 $0x140000, s7  }
0x9: {  	s31 =	sshll.u32 s1, $0x6;
	s10 =	smul.u32 $0x4E200, s7;
	s7 =	ssub.s32 $0x2, s7  }
0xa: {  	_ =	strace $0x80000047;
	s9 =	sshrl.u32 s6, $0x3;
	s24 =	sshrl.u32 s7, $0x1  }
0xb: {  	s26 =	sshrl.u32 s11, $0x2;
	s6 =	sadd.s32 s6, s4;
	s9 =	sadd.s32 s9, s5  }
0xc: {  	s4 =	sadd.s32 $0x15600, s5;
	s12 =	sadd.s32 s8, s10;
	s14 =	ssub.s32 s7, s24  }
0xd: {  	s16 =	sadd.s32 s26, s2;
	s24 =	simm.s32 $0x0;
	s6 =	sshrl.u32 s6, $0x3  }
0xe: {  	s25 =	sshrl.u32 s12, $0x3;
	s28 =	sadd.s32 $0xA0, s12;
	s10 =	smax.u32 s14, $0x1  }
0xf: {  	s29 =	sadd.s32 $0xF0, s12;
	s15 =	sadd.s32 $0x50, s12;
	s16 =	sshrl.u32 s16, $0x3  }
0x10: {  	s23 =	sadd.s32 s6, s5;
	s5 =	sadd.s32 s25, s13;
	s6 =	sadd.s32 $0x15C00, s9  }
0x11: {  	s11 =	sshrl.u32 s28, $0x3;
	s14 =	sshrl.u32 s29, $0x3;
	s30 =	sshrl.u32 s15, $0x3  }
0x12: {  	s15 =	sor.u32 $0x1C03, s31;
	s7 =	sadd.s32 $0x9B0, s5;
	s8 =	sadd.s32 $0x9BA, s5  }
0x13: {  	s9 =	sadd.s32 $0x3DC00, s23;
	s11 =	sadd.s32 s11, s13;
	s12 =	sadd.s32 s14, s13  }
0x14: {  	s13 =	sadd.s32 s30, s13;
	s14 =	simm.s32 $0x3;
	s23 =	simm.s32 $0x2  }
.LBB2_1:
0x15: {  	[tilespmem:s3], [sflag:$0x3] =	stream.linear.gather [hbm4b:s4+s3], $0x2800, $0x38;
	[tilespmem:$0x16A00] =	vst v63  }
0x16: {  	_ =	swait.ge [sflag:s14], $0x2800  }
0x17: {  	[sflag:s14] =	ssyncset.done $0x0  }
0x18: {  	[sflag:s14] =	ssyncadd.s32 $0xFFFFD800  }
0x19: {  	[spmem:s16], [sflag:s15] =	dma.local [hbm:s6], $0x2800  }
0x1a: {  	_ =	swait.ge [sflag:s14], $0x2800  }
0x1b: {  	[sflag:s14] =	ssyncset.done $0x0  }
0x1c: {  	[sflag:s14] =	ssyncadd.s32 $0xFFFFD800  }
0x1d: {  	s25 =	sadd.s32 $0x0, s5;
	[bflag:$0x0] =	sbarrier.arrive $0xFFFF  }
0x1e: {  	[tilespmem:s17], [sflag:$0x1] =	stream.linear.gather [hbm4b:s25+s3], $0x50, $0x38;
	[tilespmem:$0x16A00] =	vst v63  }
0x1f: {  	s29 =	sadd.s32 $0x0, s13  }
0x20: {  	[tilespmem:s18], [sflag:$0x1] =	stream.linear.gather [hbm4b:s29+s3], $0x50, $0x38;
	[tilespmem:$0x16A00] =	vst v63  }
0x21: {  	_ =	swait.ge [sflag:s19], $0x50  }
0x22: {  	[sflag:s19] =	ssyncset.done $0x0  }
0x23: {  	[sflag:s19] =	ssyncadd.s32 $0xFFFFFFB0  }
0x24: {  	_ =	swait.ge [sflag:s19], $0x50  }
0x25: {  	[sflag:s19] =	ssyncset.done $0x0  }
0x26: {  	[sflag:s19] =	ssyncadd.s32 $0xFFFFFFB0  }
0x27: {  	[spmem:s2] =	stream.indirect.scatter.add.f32 [tilespmem:s3], [sflag:$0x1], $0x80, s17, s20, $0xb8;
	[tilespmem:$0x16A00] =	vst v63  }
0x28: {  	_ = 	snop  }
0x29: {  	[spmem:s2] =	stream.indirect.scatter.add.f32 [tilespmem:s3], [sflag:$0x1], $0x80, s18, s20, $0xb8;
	[tilespmem:$0x16A00] =	vst v63  }
0x2a: {  	s30 =	sadd.s32 $0x0, s11  }
0x2b: {  	[tilespmem:s21], [sflag:$0x2] =	stream.linear.gather [hbm4b:s30+s3], $0x50, $0x38;
	[tilespmem:$0x16A00] =	vst v63  }
0x2c: {  	s31 =	sadd.s32 $0x0, s12  }
0x2d: {  	[tilespmem:s22], [sflag:$0x2] =	stream.linear.gather [hbm4b:s31+s3], $0x50, $0x38;
	[tilespmem:$0x16A00] =	vst v63  }
0x2e: {  	_ =	swait.ge [sflag:s19], $0x2800  }
0x2f: {  	[sflag:s19] =	ssyncset.done $0x0  }
0x30: {  	[sflag:s19] =	ssyncadd.s32 $0xFFFFD800  }
0x31: {  	_ =	swait.ge [sflag:s19], $0x2800  }
0x32: {  	[sflag:s19] =	ssyncset.done $0x0  }
0x33: {  	[sflag:s19] =	ssyncadd.s32 $0xFFFFD800  }
0x34: {  	_ =	swait.ge [sflag:s23], $0x50  }
0x35: {  	[sflag:s23] =	ssyncset.done $0x0  }
0x36: {  	[sflag:s23] =	ssyncadd.s32 $0xFFFFFFB0  }
0x37: {  	_ =	swait.ge [sflag:s23], $0x50  }
0x38: {  	[sflag:s23] =	ssyncset.done $0x0  }
0x39: {  	[sflag:s23] =	ssyncadd.s32 $0xFFFFFFB0  }
0x3a: {  	[spmem:s2] =	stream.indirect.scatter.add.f32 [tilespmem:s3], [sflag:$0x2], $0x80, s21, s20, $0xb8;
	[tilespmem:$0x16A00] =	vst v63  }
0x3b: {  	_ = 	snop  }
0x3c: {  	[spmem:s2] =	stream.indirect.scatter.add.f32 [tilespmem:s3], [sflag:$0x2], $0x80, s22, s20, $0xb8;
	[tilespmem:$0x16A00] =	vst v63  }
0x3d: {  	_ =	swait.ge [sflag:s23], $0x2800  }
0x3e: {  	[sflag:s23] =	ssyncset.done $0x0  }
0x3f: {  	[sflag:s23] =	ssyncadd.s32 $0xFFFFD800  }
0x40: {  	_ =	swait.ge [sflag:s23], $0x2800  }
0x41: {  	s28 =	simm.s32 $0x50;
	s25 =	simm.s32 $0x28;
	[sflag:s23] =	ssyncset.done $0x0  }
.LBB2_2:
0x42: {  	s29 =	sadd.s32 s25, s5  }
0x43: {  	[sflag:s23] =	ssyncadd.s32 $0xFFFFD800;
	s30 =	smov.u32 s28;
	s26 =	sadd.s32 $0x28, s28  }
0x44: {  	[tilespmem:s17], [sflag:$0x1] =	stream.linear.gather [hbm4b:s29+s3], $0x50, $0x38;
	[tilespmem:$0x16A00] =	vst v63  }
0x45: {  	p0 =	sne.s32 s28, $0x988;
	s28 =	sadd.s32 s25, s13  }
0x46: {  	[tilespmem:s18], [sflag:$0x1] =	stream.linear.gather [hbm4b:s28+s3], $0x50, $0x38;
	[tilespmem:$0x16A00] =	vst v63  }
0x47: {  	_ =	swait.ge [sflag:s19], $0x50  }
0x48: {  	[sflag:s19] =	ssyncset.done $0x0  }
0x49: {  	[sflag:s19] =	ssyncadd.s32 $0xFFFFFFB0  }
0x4a: {  	_ =	swait.ge [sflag:s19], $0x50  }
0x4b: {  	[sflag:s19] =	ssyncset.done $0x0  }
0x4c: {  	[sflag:s19] =	ssyncadd.s32 $0xFFFFFFB0  }
0x4d: {  	[spmem:s2] =	stream.indirect.scatter.add.f32 [tilespmem:s3], [sflag:$0x1], $0x80, s17, s20, $0xb8;
	[tilespmem:$0x16A00] =	vst v63  }
0x4e: {  	_ = 	snop  }
0x4f: {  	[spmem:s2] =	stream.indirect.scatter.add.f32 [tilespmem:s3], [sflag:$0x1], $0x80, s18, s20, $0xb8;
	[tilespmem:$0x16A00] =	vst v63  }
0x50: {  	s28 =	sadd.s32 s25, s11  }
0x51: {  	[tilespmem:s21], [sflag:$0x2] =	stream.linear.gather [hbm4b:s28+s3], $0x50, $0x38;
	[tilespmem:$0x16A00] =	vst v63  }
0x52: {  	s28 =	sadd.s32 s25, s12;
	s25 =	smov.u32 s30  }
0x53: {  	[tilespmem:s22], [sflag:$0x2] =	stream.linear.gather [hbm4b:s28+s3], $0x50, $0x38;
	[tilespmem:$0x16A00] =	vst v63  }
0x54: {  	_ =	swait.ge [sflag:s19], $0x2800  }
0x55: {  	[sflag:s19] =	ssyncset.done $0x0  }
0x56: {  	[sflag:s19] =	ssyncadd.s32 $0xFFFFD800  }
0x57: {  	_ =	swait.ge [sflag:s19], $0x2800  }
0x58: {  	[sflag:s19] =	ssyncset.done $0x0  }
0x59: {  	[sflag:s19] =	ssyncadd.s32 $0xFFFFD800  }
0x5a: {  	_ =	swait.ge [sflag:s23], $0x50  }
0x5b: {  	[sflag:s23] =	ssyncset.done $0x0  }
0x5c: {  	[sflag:s23] =	ssyncadd.s32 $0xFFFFFFB0  }
0x5d: {  	_ =	swait.ge [sflag:s23], $0x50  }
0x5e: {  	[sflag:s23] =	ssyncset.done $0x0  }
0x5f: {  	[sflag:s23] =	ssyncadd.s32 $0xFFFFFFB0  }
0x60: {  	[spmem:s2] =	stream.indirect.scatter.add.f32 [tilespmem:s3], [sflag:$0x2], $0x80, s21, s20, $0xb8;
	[tilespmem:$0x16A00] =	vst v63  }
0x61: {  	_ = 	snop  }
0x62: {  	[spmem:s2] =	stream.indirect.scatter.add.f32 [tilespmem:s3], [sflag:$0x2], $0x80, s22, s20, $0xb8;
	[tilespmem:$0x16A00] =	vst v63  }
.Ltmp0:
0x63: {  	_ =	swait.ge [sflag:s23], $0x2800;
	(pc) =	sbr.rel @p0 .LBB2_2-.Ltmp0, $4  }
0x64: {  	[sflag:s23] =	ssyncset.done $0x0  }
0x65: {  	[sflag:s23] =	ssyncadd.s32 $0xFFFFD800  }
0x66: {  	_ =	swait.ge [sflag:s23], $0x2800  }
0x67: {  	s28 =	smov.u32 s26;
	[sflag:s23] =	ssyncset.done $0x0  }
0x68: {  	s26 =	sadd.s32 s25, s5;
	[sflag:s23] =	ssyncadd.s32 $0xFFFFD800  }
0x69: {  	[tilespmem:s17], [sflag:$0x1] =	stream.linear.gather [hbm4b:s26+s3], $0x50, $0x38;
	[tilespmem:$0x16A00] =	vst v63  }
0x6a: {  	s29 =	sadd.s32 s25, s13  }
0x6b: {  	[tilespmem:s18], [sflag:$0x1] =	stream.linear.gather [hbm4b:s29+s3], $0x50, $0x38;
	[tilespmem:$0x16A00] =	vst v63  }
0x6c: {  	_ =	swait.ge [sflag:s19], $0x50  }
0x6d: {  	[sflag:s19] =	ssyncset.done $0x0  }
0x6e: {  	[sflag:s19] =	ssyncadd.s32 $0xFFFFFFB0  }
0x6f: {  	_ =	swait.ge [sflag:s19], $0x50  }
0x70: {  	[sflag:s19] =	ssyncset.done $0x0  }
0x71: {  	[sflag:s19] =	ssyncadd.s32 $0xFFFFFFB0  }
0x72: {  	[spmem:s2] =	stream.indirect.scatter.add.f32 [tilespmem:s3], [sflag:$0x1], $0x80, s17, s20, $0xb8;
	[tilespmem:$0x16A00] =	vst v63  }
0x73: {  	_ = 	snop  }
0x74: {  	[spmem:s2] =	stream.indirect.scatter.add.f32 [tilespmem:s3], [sflag:$0x1], $0x80, s18, s20, $0xb8;
	[tilespmem:$0x16A00] =	vst v63  }
0x75: {  	s30 =	sadd.s32 s25, s11  }
0x76: {  	[tilespmem:s21], [sflag:$0x2] =	stream.linear.gather [hbm4b:s30+s3], $0x50, $0x38;
	[tilespmem:$0x16A00] =	vst v63  }
0x77: {  	s31 =	sadd.s32 s25, s12  }
0x78: {  	[tilespmem:s22], [sflag:$0x2] =	stream.linear.gather [hbm4b:s31+s3], $0x50, $0x38;
	[tilespmem:$0x16A00] =	vst v63  }
0x79: {  	_ =	swait.ge [sflag:s19], $0x2800  }
0x7a: {  	[sflag:s19] =	ssyncset.done $0x0  }
0x7b: {  	[sflag:s19] =	ssyncadd.s32 $0xFFFFD800  }
0x7c: {  	_ =	swait.ge [sflag:s19], $0x2800  }
0x7d: {  	[sflag:s19] =	ssyncset.done $0x0  }
0x7e: {  	[sflag:s19] =	ssyncadd.s32 $0xFFFFD800  }
0x7f: {  	_ =	swait.ge [sflag:s23], $0x50  }
0x80: {  	[sflag:s23] =	ssyncset.done $0x0  }
0x81: {  	[sflag:s23] =	ssyncadd.s32 $0xFFFFFFB0  }
0x82: {  	_ =	swait.ge [sflag:s23], $0x50  }
0x83: {  	[sflag:s23] =	ssyncset.done $0x0  }
0x84: {  	[sflag:s23] =	ssyncadd.s32 $0xFFFFFFB0  }
0x85: {  	[spmem:s2] =	stream.indirect.scatter.add.f32 [tilespmem:s3], [sflag:$0x2], $0x80, s21, s20, $0xb8;
	[tilespmem:$0x16A00] =	vst v63  }
0x86: {  	_ = 	snop  }
0x87: {  	[spmem:s2] =	stream.indirect.scatter.add.f32 [tilespmem:s3], [sflag:$0x2], $0x80, s22, s20, $0xb8;
	[tilespmem:$0x16A00] =	vst v63  }
0x88: {  	_ =	swait.ge [sflag:s23], $0x2800  }
0x89: {  	[sflag:s23] =	ssyncset.done $0x0  }
0x8a: {  	[sflag:s23] =	ssyncadd.s32 $0xFFFFD800  }
0x8b: {  	_ =	swait.ge [sflag:s23], $0x2800  }
0x8c: {  	[sflag:s23] =	ssyncset.done $0x0  }
0x8d: {  	[sflag:s23] =	ssyncadd.s32 $0xFFFFD800  }
0x8e: {  	[tilespmem:s17], [sflag:$0x1] =	stream.linear.gather [hbm4b:s7+s3], $0x50, $0x38;
	[tilespmem:$0x16A00] =	vst v63  }
0x8f: {  	_ = 	snop  }
0x90: {  	[tilespmem:s18], [sflag:$0x1] =	stream.linear.gather [hbm4b:s8+s3], $0x50, $0x38;
	[tilespmem:$0x16A00] =	vst v63  }
0x91: {  	_ =	swait.ge [sflag:s19], $0x50  }
0x92: {  	[sflag:s19] =	ssyncset.done $0x0  }
0x93: {  	[sflag:s19] =	ssyncadd.s32 $0xFFFFFFB0  }
0x94: {  	_ =	swait.ge [sflag:s19], $0x50  }
0x95: {  	[sflag:s19] =	ssyncset.done $0x0  }
0x96: {  	[sflag:s19] =	ssyncadd.s32 $0xFFFFFFB0  }
0x97: {  	[spmem:s2] =	stream.indirect.scatter.add.f32 [tilespmem:s3], [sflag:$0x1], $0x80, s17, s20, $0xb8;
	[tilespmem:$0x16A00] =	vst v63  }
0x98: {  	_ = 	snop  }
0x99: {  	[spmem:s2] =	stream.indirect.scatter.add.f32 [tilespmem:s3], [sflag:$0x1], $0x80, s18, s20, $0xb8;
	[tilespmem:$0x16A00] =	vst v63  }
0x9a: {  	_ =	swait.ge [sflag:s19], $0x2800  }
0x9b: {  	[sflag:s19] =	ssyncset.done $0x0  }
0x9c: {  	[sflag:s19] =	ssyncadd.s32 $0xFFFFD800  }
0x9d: {  	_ =	swait.ge [sflag:s19], $0x2800  }
0x9e: {  	s24 =	sadd.s32 $0x1, s24;
	[sflag:s19] =	ssyncset.done $0x0  }
0x9f: {  	p0 =	sne.s32 s24, s10;
	[sflag:s19] =	ssyncadd.s32 $0xFFFFD800  }
.Ltmp1:
0xa0: {  	[bflag:$0x0] =	sbarrier.arrive $0xFFFF;
	(pc) =	sbr.rel @p0 .LBB2_1-.Ltmp1, $4  }
0xa1: {  	[hbm:s9], [sflag:s15] =	dma.local [spmem:s16], $0x2800  }
0xa2: {  	_ =	swait.ge [sflag:s14], $0x2800  }
0xa3: {  	[sflag:s14] =	ssyncset.done $0x0  }
0xa4: {  	[sflag:s14] =	ssyncadd.s32 $0xFFFFD800  }
0xa5: {  	_ =	sfence.sel $0x180000  }
0xa6: {  	[bflag:$0x0] =	sbarrier.arrive $0xFFFF  }
0xa7: {  	p0 =	sne.s32 s1, $0x0;
	_ =	strace $0x90000047  }
0xa8: {  	s0 =	sadd.s32 @!p0 $0x100000, s0;
	[bflag:$0x2] =	sbarrier.arrive $0xFFFF  }
0xa9: {  	[sflag:s0] =	ssyncadd.tile.s32 @!p0 $0x1;
	_ =	shalt  }
.Lfunc_end2:
_tile_overlayer_lowered:
.L_overlay_start_2:
0xaa: {  	(tag) =	ssettag $0x2  }
0xab: {  	s0 =	rddreg [dreg:$0x0];
	s2 =	stileid.u32  }
0xac: {  	s1 =	rddreg [dreg:$0x1];
	p0 =	sne.s32 s2, $0x0  }
0xad: {  	s3 =	rddreg [dreg:$0x2];
	[bflag:$0x3] =	sbarrier.arrive $0xFFFF;
	s2 =	simm.s32 @!p0 $0x1C03  }
0xae: {  	[timem:s3], [sflag:s2] =	dma.local @!p0 [hbm:s0], s1  }
0xaf: {  	s0 =	simm.s32 @!p0 $0x3  }
0xb0: {  	_ =	swait.ge @!p0 [sflag:s0], s1  }
0xb1: {  	s1 =	ssub.s32 @!p0 $0x0, s1;
	[sflag:s0] =	ssyncset.done @!p0 $0x0  }
0xb2: {  	[sflag:s0] =	ssyncadd.s32 @!p0 s1  }
0xb3: {  	[bflag:$0x3] =	sbarrier.arrive $0xFFFF  }
0xb4: {  	_ =	shalt  }

// kernel: kernel.13.cloned.1.call-start
scs
__scs_entry_jumppad:
0x0: {  	(pc) =	sbr.rel $0x88, $3  }
0x1: {  	(tag) =	ssettag $0x0;
	lr =	simm.s32 $0x1  }
0x2: {  	[smem:$0x3F9C] =	sst lr;
	_ =	strace $0xD0000000  }
0x3: {  	_ = 	snop  }
0x4: {  	_ = 	snop  }
0x5: {  	_ = 	snop  }
0x6: {  	_ = 	snop  }
0x7: {  	_ = 	snop  }
__scs_overlays_trampoline_lowered:
0x8: {  	[smem:$0x3FAB] =	sst s0  }
0x9: {  	[smem:$0x3FAC] =	sst s1  }
0xa: {  	[smem:$0x3FAD] =	sst s2  }
0xb: {  	[smem:$0x3FAE] =	sst s3  }
0xc: {  	[smem:$0x3FAF] =	sst s4  }
0xd: {  	[smem:$0x3FB0] =	sst s5  }
0xe: {  	[smem:$0x3FB1] =	sst s6  }
0xf: {  	[smem:$0x3FB2] =	sst s7  }
0x10: {  	[smem:$0x3FB3] =	sst s8  }
0x11: {  	[smem:$0x3FB4] =	sst s9;
	s0 =	simm.s32 @!p0 $0x0  }
0x12: {  	s1 =	sld [smem:$0x3F9A];
	s0 =	simm.s32 @p0 $0x1  }
0x13: {  	[smem:$0x3FB5] =	sst s0;
	s0 =	simm.s32 @!p1 $0x0  }
0x14: {  	s2 =	sld [smem:$0x3F99];
	s0 =	simm.s32 @p1 $0x1  }
0x15: {  	[smem:$0x3FB6] =	sst s0;
	s0 =	simm.s32 @!p2 $0x0  }
0x16: {  	s3 =	sld [smem:$0x3FDB];
	s0 =	simm.s32 @p2 $0x1  }
0x17: {  	s4 =	simm.s32 $0x1BF5;
	[smem:$0x3FB8] =	sst s0  }
0x18: {  	s0 =	sld [smem:$0x3F9B];
	_ =	swait.ge [sflag:s4], $0x0  }
0x19: {  	s7 =	sld [smem:$0x3F9C]  }
0x1a: {  	s8 =	sadd.s32 $0xFFFFE003, lr  }
0x1b: {  	s9 =	sadd.s32 $0xFFFFFEF7, lr;
	s5 =	simm.s32 $0xFFFFFFFF;
	p2 =	slt.u32 s8, $0xFFFFF086  }
0x1c: {  	p1 =	slt.u32 s9, $0xF7A;
	s5 =	simm.s32 @!p2 $0x0  }
0x1d: {  	s5 =	simm.s32 @p1 $0x1;
	p0 =	seq.s32 s7, s2  }
0x1e: {  	s7 =	smul.u32 @!p0 $0xF7A, s2;
	p2 =	seq.s32 @!p0 s5, $0x0  }
0x1f: {  	s9 =	smul.u32 $0xF7A, s1;
	s8 =	simm.s32 @!p0 $0x1BF5;
	p2 =	por !p2, p0  }
0x20: {  	[sflag:s8] =	ssyncset.s32 @!p0 $0xFFFFF086;
	s6 =	sadd.s32 @!p0 s3, s7;
	s7 =	simm.s32 @!p0 $0x108  }
0x21: {  	s3 =	sadd.s32 s3, s9;
	s6 =	sadd.s32 @!p0 $0x88, s6;
	s7 =	simm.s32 @p2 $0x1082  }
0x22: {  	[simem:s7], [sflag:s8] =	dma.local @!p0 [hbm:s6], $0xF7A  }
0x23: {  	s9 =	sor.u32 $0xD0000000, s2;
	s6 =	simm.s32 $0x108;
	_ =	swait.ge @!p0 [sflag:s8], $0x0  }
0x24: {  	s3 =	sadd.s32 $0x88, s3;
	s6 =	simm.s32 @!p1 $0x1082;
	[sflag:s4] =	ssyncset.s32 $0xFFFFF086  }
0x25: {  	[simem:s6], [sflag:s4] =	dma.local [hbm:s3], $0xF7A  }
0x26: {  	[smem:$0x3F9C] =	sst s1;
	(tag) =	ssettag s2;
	_ =	strace s9  }
0x27: {  	s1 =	sld [smem:$0x3FAC]  }
0x28: {  	s2 =	sld [smem:$0x3FAD]  }
0x29: {  	s4 =	sld [smem:$0x3FAF]  }
0x2a: {  	p0 =	seq.s32 s5, $0x0;
	s5 =	sld [smem:$0x3FB0]  }
0x2b: {  	s6 =	sld [smem:$0x3FB1]  }
0x2c: {  	s7 =	sld [smem:$0x3FB2]  }
0x2d: {  	s3 =	simm.s32 $0x108;
	s8 =	sld [smem:$0x3FB3]  }
0x2e: {  	s3 =	simm.s32 @!p0 $0x1082;
	s9 =	sld [smem:$0x3FB4]  }
0x2f: {  	lr =	sadd.s32 s0, s3;
	s0 =	sld [smem:$0x3FAB]  }
0x30: {  	s3 =	sld [smem:$0x3FAE]  }
0x31: {  	[smem:$0x3FB7] =	sst s10  }
0x32: {  	s10 =	sld [smem:$0x3FB5];
	_ =	sdelay $0x3  }
0x33: {  	p0 =	seq.s32 s10, $0x1;
	s10 =	sld [smem:$0x3FB7];
	_ =	sdelay $0x3  }
0x34: {  	[smem:$0x3FB7] =	sst s10  }
0x35: {  	s10 =	sld [smem:$0x3FB6];
	_ =	sdelay $0x3  }
0x36: {  	p1 =	seq.s32 s10, $0x1;
	s10 =	sld [smem:$0x3FB7];
	_ =	sdelay $0x3  }
0x37: {  	[smem:$0x3FB7] =	sst s10  }
0x38: {  	s10 =	sld [smem:$0x3FB8]  }
0x39: {  	_ = 	snop;
	(pc) =	sbr.ind lr, $3  }
0x3a: {  	_ = 	snop  }
0x3b: {  	_ = 	snop  }
0x3c: {  	p2 =	seq.s32 s10, $0x1;
	s10 =	sld [smem:$0x3FB7]  }
0x3d: {  	_ =	shalt  }
0x3e: {  	_ =	shalt  }
0x3f: {  	_ =	shalt  }
0x40: {  	_ =	shalt  }
0x41: {  	_ =	shalt  }
0x42: {  	_ =	shalt  }
0x43: {  	_ =	shalt  }
0x44: {  	_ =	shalt  }
0x45: {  	_ =	shalt  }
0x46: {  	_ =	shalt  }
0x47: {  	_ =	shalt  }
0x48: {  	_ =	shalt  }
0x49: {  	_ =	shalt  }
0x4a: {  	_ =	shalt  }
0x4b: {  	_ =	shalt  }
0x4c: {  	_ =	shalt  }
0x4d: {  	_ =	shalt  }
0x4e: {  	_ =	shalt  }
0x4f: {  	_ =	shalt  }
0x50: {  	_ =	shalt  }
0x51: {  	_ =	shalt  }
0x52: {  	_ =	shalt  }
0x53: {  	_ =	shalt  }
0x54: {  	_ =	shalt  }
0x55: {  	_ =	shalt  }
0x56: {  	_ =	shalt  }
0x57: {  	_ =	shalt  }
0x58: {  	_ =	shalt  }
0x59: {  	_ =	shalt  }
0x5a: {  	_ =	shalt  }
0x5b: {  	_ =	shalt  }
0x5c: {  	_ =	shalt  }
0x5d: {  	_ =	shalt  }
0x5e: {  	_ =	shalt  }
0x5f: {  	_ =	shalt  }
0x60: {  	_ =	shalt  }
0x61: {  	_ =	shalt  }
0x62: {  	_ =	shalt  }
0x63: {  	_ =	shalt  }
0x64: {  	_ =	shalt  }
0x65: {  	_ =	shalt  }
0x66: {  	_ =	shalt  }
0x67: {  	_ =	shalt  }
0x68: {  	_ =	shalt  }
0x69: {  	_ =	shalt  }
0x6a: {  	_ =	shalt  }
0x6b: {  	_ =	shalt  }
0x6c: {  	_ =	shalt  }
0x6d: {  	_ =	shalt  }
0x6e: {  	_ =	shalt  }
0x6f: {  	_ =	shalt  }
0x70: {  	_ =	shalt  }
0x71: {  	_ =	shalt  }
0x72: {  	_ =	shalt  }
0x73: {  	_ =	shalt  }
0x74: {  	_ =	shalt  }
0x75: {  	_ =	shalt  }
0x76: {  	_ =	shalt  }
0x77: {  	_ =	shalt  }
0x78: {  	_ =	shalt  }
0x79: {  	_ =	shalt  }
0x7a: {  	_ =	shalt  }
0x7b: {  	_ =	shalt  }
0x7c: {  	_ =	shalt  }
0x7d: {  	_ =	shalt  }
0x7e: {  	_ =	shalt  }
0x7f: {  	_ =	shalt  }
0x80: {  	_ =	shalt  }
0x81: {  	_ =	shalt  }
0x82: {  	_ =	shalt  }
0x83: {  	_ =	shalt  }
0x84: {  	_ =	shalt  }
0x85: {  	_ =	shalt  }
0x86: {  	_ =	shalt  }
0x87: {  	_ =	shalt  }
.Lfunc_end0:
.L_simem_size_0:
called_computation.2_lowered:
.L_overlay_start_0:
0x88: {  	s2 =	sld [smem:$0x3FD9]  }
0x89: {  	s3 =	sld [smem:$0x3FFE];
	_ =	sdelay $0x1  }
0x8a: {  	s1 =	srdreg.scid  }
0x8b: {  	s0 =	sand.u32 $0x1, s1  }
0x8c: {  	s17 =	sshll.u32 s0, $0xA;
	s2 =	sadd.s32 s3, s2  }
0x8d: {  	s2 =	sadd.s32 s2, s17  }
0x8e: {  	[smem:$0x3FC3] =	sst s2  }
0x8f: {  	_ = 	snop  }
0x90: {  	s2 =	sld [smem:$0x3FD0];
	(tm) =	ssettm $0x1  }
0x91: {  	s18 =	sld [smem:$0x3FFB];
	_ =	sdelay $0x3  }
0x92: {  	_ =	strace s18  }
0x93: {  	s3 =	sld [smem:$0x3FFC];
	_ =	sdelay $0x3  }
0x94: {  	_ =	strace s3  }
0x95: {  	s3 =	sld [smem:$0x3FFD];
	_ =	sdelay $0x3  }
0x96: {  	_ =	strace s3  }
0x97: {  	_ =	strace $0x8FFFFFFF  }
0x98: {  	s19 =	sld [smem:$0x3FDB];
	_ =	sdelay $0x1  }
0x99: {  	s4 =	simm.s32 $_scs_section_size  }
0x9a: {  	s5 =	simm.s32 $_size__tile_overlayer_lowered;
	s6 =	simm.s32 $_tile_overlayer_lowered  }
0x9b: {  	s22 =	simm.s32 $0x1BFF;
	s21 =	sshll.u32 s6, $0x1;
	s3 =	sadd.s32 s4, s19  }
0x9c: {  	s7 =	simm.s32 $0x0;
	s20 =	sshll.u32 s5, $0x1;
	s5 =	sadd.s32 s21, s3  }
0x9d: {  	[timem:s7], [sflag:s22] =	dma.local [hbm:s5], s20  }
0x9e: {  	_ =	swait.ge [sflag:s22], s20  }
0x9f: {  	s4 =	ssub.s32 $0x0, s20;
	[sflag:s22] =	ssyncset.done $0x0  }
0xa0: {  	[sflag:s22] =	ssyncadd.s32 s4;
	_ =	sdelay $0x1  }
0xa1: {  	s23 =	simm.s32 $0x1B8B  }
0xa2: {  	_ =	swait.ge [sflag:s23], $0x1  }
0xa3: {  	[sflag:s23] =	ssyncset.done $0x0  }
0xa4: {  	s25 =	simm.s32 $0x1B8E;
	s24 =	sld [smem:$0x3FFE];
	[sflag:s23] =	ssyncadd.s32 $0xFFFFFFFF  }
0xa5: {  	s26 =	simm.s32 $execute0_lowered;
	[smem:$0x3FD2] =	sst s25  }
0xa6: {  	s5 =	sshll.u32 s26, $0x1;
	_ =	strace $0x8000004C;
	[dreg:$0x1] =	wrdreg $0xFFFFFFFF  }
0xa7: {  	s28 =	simm.s32 $_size_execute0_lowered;
	s3 =	sadd.s32 s3, s5;
	[dreg:$0x0] =	wrdreg $0x0  }
0xa8: {  	s5 =	sshll.u32 s28, $0x1;
	[dreg:$0x2] =	wrdreg s3  }
0xa9: {  	[dreg:$0x3] =	wrdreg s5  }
0xaa: {  	[dreg:$0x4] =	wrdreg $0xC0  }
0xab: {  	_ =	task [dreg:s7], $0x5FFFF  }
0xac: {  	[dreg:$0x1] =	wrdreg $0xFFFFFFFF  }
0xad: {  	[dreg:$0x0] =	wrdreg $0x60  }
0xae: {  	[dreg:$0x2] =	wrdreg s2  }
0xaf: {  	[dreg:$0x3] =	wrdreg s24  }
0xb0: {  	[dreg:$0x4] =	wrdreg $0x9  }
0xb1: {  	_ =	task.clear_ibuf [dreg:s7], $0x5FFFF;
	_ =	strace $0x9000004C  }
0xb2: {  	s29 =	simm.s32 $0x9;
	_ =	strace $0x8000004E  }
0xb3: {  	_ =	swait.ge [sflag:s29], $0x1  }
0xb4: {  	[sflag:s29] =	ssyncadd.s32 $0xFFFFFFFF  }
0xb5: {  	_ =	strace $0x9000004E  }
0xb6: {  	_ =	sfence  }
0xb7: {  	s30 =	sld [smem:$0x0];
	_ =	sdelay $0x2  }
0xb8: {  	s31 =	sshll.u32 s1, $0xD;
	s1 =	sshrl.u32 s1, $0x2  }
0xb9: {  	s3 =	sand.u32 $0x4000, s31;
	s1 =	sadd.s32 s1, s30  }
0xba: {  	s0 =	sor.u32 s3, s0;
	s1 =	sshll.u32 s1, $0x11  }
0xbb: {  	s0 =	sor.u32 s1, s0  }
0xbc: {  	s0 =	sadd.s32 $0x8F2B, s0  }
0xbd: {  	[sflag:s0] =	ssyncadd.remote.s32 $0x1  }
0xbe: {  	_ =	sfence.sel $0xFFFF  }
0xbf: {  	[dreg:$0x0] =	wrdreg $0xFFFFFFFF;
	(pc) =	sbr.abs _section_cstart, $3  }
0xc0: {  	[dreg:$0x1] =	wrdreg $0xFFFFFFFF  }
0xc1: {  	_ =	task.clear_ibuf [dreg:s7], $0x2FFFF;
	_ =	strace $0x9FFFFFFF  }
0xc2: {  	(tm) =	ssettm $0x7FFFFFFF  }
0xc3: {  	_ =	shalt  }
tec
execute0_lowered:
.L_overlay_start_1:
0x0: {  	(tag) =	ssettag $0x1  }
0x1: {  	s1 =	rddreg [dreg:$0x0]  }
0x2: {  	s4 =	rddreg [dreg:$0x1]  }
0x3: {  	s0 =	rddreg [dreg:$0x2];
	s2 =	stileid.u32  }
0x4: {  	s5 =	srdreg.scid;
	s6 =	smul.u32 $0x4E20, s2  }
0x5: {  	s3 =	simm.s32 $0x0;
	s5 =	sand.u32 $0x1, s5;
	s11 =	smul.u32 $0x271000, s2  }
0x6: {  	[smem:$0x7FF] =	sst s3;
	s7 =	smul.u32 $0x4E200, s5  }
0x7: {  	s8 =	sadd.s32 $0x8DC00, s4;
	s9 =	ssub.s32 $0x2, s5;
	s5 =	smul.u32 $0x2710000, s5  }
0x8: {  	_ =	strace $0x8000004D;
	s10 =	sshrl.u32 s9, $0x1;
	s6 =	sadd.s32 s6, s7  }
0x9: {  	s7 =	sadd.s32 $0xA1600, s4;
	s25 =	ssub.s32 s9, s10;
	s5 =	sadd.s32 s11, s5  }
0xa: {  	s26 =	sadd.s32 $0x190, s6;
	s4 =	smax.u32 s25, $0x1;
	s28 =	sadd.s32 $0xC800, s5  }
0xb: {  	s29 =	sadd.s32 $0x2D0, s6;
	s31 =	sadd.s32 $0x280, s6;
	s12 =	sadd.s32 $0x230, s6  }
0xc: {  	s15 =	sadd.s32 $0x1E0, s6;
	s17 =	sshrl.u32 s6, $0x3;
	s18 =	sadd.s32 $0x140, s6  }
0xd: {  	s22 =	sadd.s32 $0xF0, s6;
	s24 =	sadd.s32 $0xA0, s6;
	s6 =	sadd.s32 $0x50, s6  }
0xe: {  	s9 =	sshrl.u32 s26, $0x3;
	s30 =	sshrl.u32 s29, $0x3;
	s11 =	sshrl.u32 s31, $0x3  }
0xf: {  	s13 =	sshrl.u32 s12, $0x3;
	s10 =	sshrl.u32 s28, $0x3;
	s16 =	sshrl.u32 s15, $0x3  }
0x10: {  	s19 =	sadd.s32 s17, s8;
	s20 =	sshrl.u32 s18, $0x3;
	s23 =	sshrl.u32 s22, $0x3  }
0x11: {  	s6 =	sshrl.u32 s6, $0x3;
	s26 =	sshrl.u32 s5, $0x3;
	s28 =	simm.s32 $0x2800  }
0x12: {  	s29 =	simm.s32 $0x5000;
	s12 =	simm.s32 $0x1;
	[dreg:$0x8] =	wrdreg s19  }
0x13: {  	s15 =	simm.s32 $0x19300;
	s17 =	simm.s32 $0x19400;
	[dreg:$0xd] =	wrdreg s28  }
0x14: {  	s18 =	simm.s32 $0x19480;
	s31 =	simm.s32 $0x14000;
	[dreg:$0xe] =	wrdreg s29  }
0x15: {  	s22 =	simm.s32 $0x0;
	s9 =	sadd.s32 s9, s8;
	[dreg:$0x13] =	wrdreg s31  }
0x16: {  	s11 =	sadd.s32 s11, s8;
	s14 =	sadd.s32 s13, s8;
	[dreg:$0x3] =	wrdreg s9  }
0x17: {  	s21 =	sadd.s32 s20, s8;
	s5 =	sadd.s32 s10, s7;
	[dreg:$0x5] =	wrdreg s11  }
0x18: {  	s10 =	simm.s32 $0x19180;
	s13 =	simm.s32 $0x50;
	[dreg:$0x6] =	wrdreg s14  }
0x19: {  	s20 =	simm.s32 $0xF000;
	s19 =	simm.s32 $0x2;
	[dreg:$0x9] =	wrdreg s21  }
0x1a: {  	s9 =	sadd.s32 s30, s8;
	s11 =	sshrl.u32 s24, $0x3;
	[dreg:$0x11] =	wrdreg s20  }
0x1b: {  	s30 =	simm.s32 $0x7800;
	s14 =	simm.s32 $0xA000;
	[dreg:$0x4] =	wrdreg s9  }
0x1c: {  	s21 =	simm.s32 $0x11800;
	s20 =	simm.s32 $0xC800;
	[dreg:$0xf] =	wrdreg s30  }
0x1d: {  	s9 =	sadd.s32 s16, s8;
	s25 =	sadd.s32 s11, s8;
	[dreg:$0x10] =	wrdreg s14  }
0x1e: {  	s11 =	simm.s32 $0x19200;
	s14 =	simm.s32 $0x19280;
	[dreg:$0x12] =	wrdreg s21  }
0x1f: {  	s16 =	simm.s32 $0x19380;
	s21 =	simm.s32 $0x16800;
	[dreg:$0x7] =	wrdreg s9  }
0x20: {  	s9 =	sadd.s32 s23, s8;
	[dreg:$0xb] =	wrdreg s25;
	s8 =	sadd.s32 s6, s8  }
0x21: {  	s6 =	sadd.s32 s26, s7;
	s7 =	simm.s32 $0x19000;
	[dreg:$0xa] =	wrdreg s9  }
0x22: {  	[dreg:$0xc] =	wrdreg s8;
	s8 =	simm.s32 $0x19080;
	s9 =	simm.s32 $0x19100  }
.LBB2_1:
0x23: {  	s23 =	rddreg [dreg:$0x8]  }
0x24: {  	s24 =	rddreg [dreg:$0xc];
	s23 =	sadd.s32 $0x0, s23  }
0x25: {  	[tilespmem:s7], [sflag:$0x1] =	stream.linear.gather [hbm4b:s23+s3], $0x50, $0x38;
	[tilespmem:$0x19500] =	vst v63  }
0x26: {  	s25 =	rddreg [dreg:$0xb];
	s26 =	sadd.s32 $0x0, s24  }
0x27: {  	[tilespmem:s8], [sflag:$0x1] =	stream.linear.gather [hbm4b:s26+s3], $0x50, $0x38;
	[tilespmem:$0x19500] =	vst v63  }
0x28: {  	s28 =	rddreg [dreg:$0xa];
	s30 =	sadd.s32 $0x0, s25  }
0x29: {  	[tilespmem:s9], [sflag:$0x1] =	stream.linear.gather [hbm4b:s30+s3], $0x50, $0x38;
	[tilespmem:$0x19500] =	vst v63  }
0x2a: {  	s31 =	rddreg [dreg:$0x9];
	s26 =	sadd.s32 $0x0, s28  }
0x2b: {  	[tilespmem:s10], [sflag:$0x1] =	stream.linear.gather [hbm4b:s26+s3], $0x50, $0x38;
	[tilespmem:$0x19500] =	vst v63  }
0x2c: {  	s28 =	sadd.s32 $0x0, s31  }
0x2d: {  	[tilespmem:s11], [sflag:$0x1] =	stream.linear.gather [hbm4b:s28+s3], $0x50, $0x38;
	[tilespmem:$0x19500] =	vst v63  }
0x2e: {  	_ =	swait.ge [sflag:s12], $0x50  }
0x2f: {  	[sflag:s12] =	ssyncset.done $0x0  }
0x30: {  	[sflag:s12] =	ssyncadd.s32 $0xFFFFFFB0  }
0x31: {  	_ =	swait.ge [sflag:s12], $0x50  }
0x32: {  	[sflag:s12] =	ssyncset.done $0x0  }
0x33: {  	[sflag:s12] =	ssyncadd.s32 $0xFFFFFFB0  }
0x34: {  	_ =	swait.ge [sflag:s12], $0x50  }
0x35: {  	[sflag:s12] =	ssyncset.done $0x0  }
0x36: {  	[sflag:s12] =	ssyncadd.s32 $0xFFFFFFB0  }
0x37: {  	_ =	swait.ge [sflag:s12], $0x50  }
0x38: {  	[sflag:s12] =	ssyncset.done $0x0  }
0x39: {  	[sflag:s12] =	ssyncadd.s32 $0xFFFFFFB0  }
0x3a: {  	_ =	swait.ge [sflag:s12], $0x50  }
0x3b: {  	[sflag:s12] =	ssyncset.done $0x0  }
0x3c: {  	[sflag:s12] =	ssyncadd.s32 $0xFFFFFFB0  }
0x3d: {  	[tilespmem:s3], [sflag:$0x1] =	stream.indirect.gather [hbm4b:s1+s13], $0x80, s7, s13, $0xb8;
	[tilespmem:$0x19500] =	vst v63  }
0x3e: {  	s30 =	rddreg [dreg:$0xd]  }
0x3f: {  	[tilespmem:s30], [sflag:$0x1] =	stream.indirect.gather [hbm4b:s1+s13], $0x80, s8, s13, $0xb8;
	[tilespmem:$0x19500] =	vst v63  }
0x40: {  	s31 =	rddreg [dreg:$0xe]  }
0x41: {  	[tilespmem:s31], [sflag:$0x1] =	stream.indirect.gather [hbm4b:s1+s13], $0x80, s9, s13, $0xb8;
	[tilespmem:$0x19500] =	vst v63  }
0x42: {  	s25 =	rddreg [dreg:$0xf]  }
0x43: {  	[tilespmem:s25], [sflag:$0x1] =	stream.indirect.gather [hbm4b:s1+s13], $0x80, s10, s13, $0xb8;
	[tilespmem:$0x19500] =	vst v63  }
0x44: {  	s26 =	rddreg [dreg:$0x10]  }
0x45: {  	[tilespmem:s26], [sflag:$0x1] =	stream.indirect.gather [hbm4b:s1+s13], $0x80, s11, s13, $0xb8;
	[tilespmem:$0x19500] =	vst v63  }
0x46: {  	_ =	swait.ge [sflag:s12], $0x2800  }
0x47: {  	[sflag:s12] =	ssyncset.done $0x0  }
0x48: {  	[sflag:s12] =	ssyncadd.s32 $0xFFFFD800  }
0x49: {  	_ =	swait.ge [sflag:s12], $0x2800  }
0x4a: {  	[sflag:s12] =	ssyncset.done $0x0  }
0x4b: {  	[sflag:s12] =	ssyncadd.s32 $0xFFFFD800  }
0x4c: {  	_ =	swait.ge [sflag:s12], $0x2800  }
0x4d: {  	[sflag:s12] =	ssyncset.done $0x0  }
0x4e: {  	[sflag:s12] =	ssyncadd.s32 $0xFFFFD800  }
0x4f: {  	_ =	swait.ge [sflag:s12], $0x2800  }
0x50: {  	[sflag:s12] =	ssyncset.done $0x0  }
0x51: {  	[sflag:s12] =	ssyncadd.s32 $0xFFFFD800  }
0x52: {  	_ =	swait.ge [sflag:s12], $0x2800  }
0x53: {  	[sflag:s12] =	ssyncset.done $0x0  }
0x54: {  	s28 =	rddreg [dreg:$0x3];
	[sflag:s12] =	ssyncadd.s32 $0xFFFFD800  }
0x55: {  	[hbm4b:s6+s3] =	stream.linear.scatter [tilespmem:s3], [sflag:$0x1], $0xC800, $0x38;
	[tilespmem:$0x19500] =	vst v63  }
0x56: {  	s30 =	rddreg [dreg:$0x7];
	s23 =	sadd.s32 $0x0, s28  }
0x57: {  	[tilespmem:s14], [sflag:$0x2] =	stream.linear.gather [hbm4b:s23+s3], $0x50, $0x38;
	[tilespmem:$0x19500] =	vst v63  }
0x58: {  	s31 =	rddreg [dreg:$0x6];
	s26 =	sadd.s32 $0x0, s30  }
0x59: {  	[tilespmem:s15], [sflag:$0x2] =	stream.linear.gather [hbm4b:s26+s3], $0x50, $0x38;
	[tilespmem:$0x19500] =	vst v63  }
0x5a: {  	s28 =	rddreg [dreg:$0x5];
	s30 =	sadd.s32 $0x0, s31  }
0x5b: {  	[tilespmem:s16], [sflag:$0x2] =	stream.linear.gather [hbm4b:s30+s3], $0x50, $0x38;
	[tilespmem:$0x19500] =	vst v63  }
0x5c: {  	s31 =	rddreg [dreg:$0x4];
	s24 =	sadd.s32 $0x0, s28  }
0x5d: {  	[tilespmem:s17], [sflag:$0x2] =	stream.linear.gather [hbm4b:s24+s3], $0x50, $0x38;
	[tilespmem:$0x19500] =	vst v63  }
0x5e: {  	s26 =	sadd.s32 $0x0, s31  }
0x5f: {  	[tilespmem:s18], [sflag:$0x2] =	stream.linear.gather [hbm4b:s26+s3], $0x50, $0x38;
	[tilespmem:$0x19500] =	vst v63  }
0x60: {  	_ =	swait.ge [sflag:s19], $0x50  }
0x61: {  	[sflag:s19] =	ssyncset.done $0x0  }
0x62: {  	[sflag:s19] =	ssyncadd.s32 $0xFFFFFFB0  }
0x63: {  	_ =	swait.ge [sflag:s19], $0x50  }
0x64: {  	[sflag:s19] =	ssyncset.done $0x0  }
0x65: {  	[sflag:s19] =	ssyncadd.s32 $0xFFFFFFB0  }
0x66: {  	_ =	swait.ge [sflag:s19], $0x50  }
0x67: {  	[sflag:s19] =	ssyncset.done $0x0  }
0x68: {  	[sflag:s19] =	ssyncadd.s32 $0xFFFFFFB0  }
0x69: {  	_ =	swait.ge [sflag:s19], $0x50  }
0x6a: {  	[sflag:s19] =	ssyncset.done $0x0  }
0x6b: {  	[sflag:s19] =	ssyncadd.s32 $0xFFFFFFB0  }
0x6c: {  	_ =	swait.ge [sflag:s19], $0x50  }
0x6d: {  	[sflag:s19] =	ssyncset.done $0x0  }
0x6e: {  	[sflag:s19] =	ssyncadd.s32 $0xFFFFFFB0  }
0x6f: {  	[tilespmem:s20], [sflag:$0x2] =	stream.indirect.gather [hbm4b:s1+s13], $0x80, s14, s13, $0xb8;
	[tilespmem:$0x19500] =	vst v63  }
0x70: {  	s28 =	rddreg [dreg:$0x11]  }
0x71: {  	[tilespmem:s28], [sflag:$0x2] =	stream.indirect.gather [hbm4b:s1+s13], $0x80, s15, s13, $0xb8;
	[tilespmem:$0x19500] =	vst v63  }
0x72: {  	s30 =	rddreg [dreg:$0x12]  }
0x73: {  	[tilespmem:s30], [sflag:$0x2] =	stream.indirect.gather [hbm4b:s1+s13], $0x80, s16, s13, $0xb8;
	[tilespmem:$0x19500] =	vst v63  }
0x74: {  	s31 =	rddreg [dreg:$0x13]  }
0x75: {  	[tilespmem:s31], [sflag:$0x2] =	stream.indirect.gather [hbm4b:s1+s13], $0x80, s17, s13, $0xb8;
	[tilespmem:$0x19500] =	vst v63  }
0x76: {  	_ = 	snop  }
0x77: {  	[tilespmem:s21], [sflag:$0x2] =	stream.indirect.gather [hbm4b:s1+s13], $0x80, s18, s13, $0xb8;
	[tilespmem:$0x19500] =	vst v63  }
0x78: {  	_ =	swait.ge [sflag:s19], $0x2800  }
0x79: {  	[sflag:s19] =	ssyncset.done $0x0  }
0x7a: {  	[sflag:s19] =	ssyncadd.s32 $0xFFFFD800  }
0x7b: {  	_ =	swait.ge [sflag:s19], $0x2800  }
0x7c: {  	[sflag:s19] =	ssyncset.done $0x0  }
0x7d: {  	[sflag:s19] =	ssyncadd.s32 $0xFFFFD800  }
0x7e: {  	_ =	swait.ge [sflag:s19], $0x2800  }
0x7f: {  	[sflag:s19] =	ssyncset.done $0x0  }
0x80: {  	[sflag:s19] =	ssyncadd.s32 $0xFFFFD800  }
0x81: {  	_ =	swait.ge [sflag:s19], $0x2800  }
0x82: {  	[sflag:s19] =	ssyncset.done $0x0  }
0x83: {  	[sflag:s19] =	ssyncadd.s32 $0xFFFFD800  }
0x84: {  	_ =	swait.ge [sflag:s19], $0x2800  }
0x85: {  	[sflag:s19] =	ssyncset.done $0x0  }
0x86: {  	[sflag:s19] =	ssyncadd.s32 $0xFFFFD800  }
0x87: {  	[hbm4b:s5+s3] =	stream.linear.scatter [tilespmem:s20], [sflag:$0x2], $0xC800, $0x38;
	[tilespmem:$0x19500] =	vst v63  }
0x88: {  	_ =	swait.ge [sflag:s12], $0xC800  }
0x89: {  	[sflag:s12] =	ssyncset.done $0x0  }
0x8a: {  	s25 =	smov.u32 s6;
	[sflag:s12] =	ssyncadd.s32 $0xFFFF3800  }
0x8b: {  	s23 =	smov.u32 s5;
	s24 =	simm.s32 $0x64;
	_ =	swait.ge [sflag:s19], $0xC800  }
0x8c: {  	s26 =	simm.s32 $0xC8;
	s29 =	rddreg [dreg:$0x8];
	[sflag:s19] =	ssyncset.done $0x0  }
.LBB2_2:
0x8d: {  	[sflag:s19] =	ssyncadd.s32 $0xFFFF3800;
	s30 =	rddreg [dreg:$0xc];
	s29 =	sadd.s32 s24, s29  }
0x8e: {  	[tilespmem:s7], [sflag:$0x1] =	stream.linear.gather [hbm4b:s29+s3], $0x50, $0x38;
	[tilespmem:$0x19500] =	vst v63  }
0x8f: {  	s31 =	rddreg [dreg:$0xb];
	s29 =	sadd.s32 s24, s30  }
0x90: {  	[tilespmem:s8], [sflag:$0x1] =	stream.linear.gather [hbm4b:s29+s3], $0x50, $0x38;
	[tilespmem:$0x19500] =	vst v63  }
0x91: {  	s30 =	rddreg [dreg:$0xa];
	s29 =	sadd.s32 s24, s31  }
0x92: {  	[tilespmem:s9], [sflag:$0x1] =	stream.linear.gather [hbm4b:s29+s3], $0x50, $0x38;
	[tilespmem:$0x19500] =	vst v63  }
0x93: {  	s31 =	rddreg [dreg:$0x9];
	s29 =	sadd.s32 s24, s30  }
0x94: {  	[tilespmem:s10], [sflag:$0x1] =	stream.linear.gather [hbm4b:s29+s3], $0x50, $0x38;
	[tilespmem:$0x19500] =	vst v63  }
0x95: {  	s29 =	sadd.s32 s24, s31  }
0x96: {  	[tilespmem:s11], [sflag:$0x1] =	stream.linear.gather [hbm4b:s29+s3], $0x50, $0x38;
	[tilespmem:$0x19500] =	vst v63  }
0x97: {  	_ =	swait.ge [sflag:s12], $0x50  }
0x98: {  	[sflag:s12] =	ssyncset.done $0x0  }
0x99: {  	[sflag:s12] =	ssyncadd.s32 $0xFFFFFFB0  }
0x9a: {  	_ =	swait.ge [sflag:s12], $0x50  }
0x9b: {  	[sflag:s12] =	ssyncset.done $0x0  }
0x9c: {  	[sflag:s12] =	ssyncadd.s32 $0xFFFFFFB0  }
0x9d: {  	_ =	swait.ge [sflag:s12], $0x50  }
0x9e: {  	[sflag:s12] =	ssyncset.done $0x0  }
0x9f: {  	[sflag:s12] =	ssyncadd.s32 $0xFFFFFFB0  }
0xa0: {  	_ =	swait.ge [sflag:s12], $0x50  }
0xa1: {  	[sflag:s12] =	ssyncset.done $0x0  }
0xa2: {  	[sflag:s12] =	ssyncadd.s32 $0xFFFFFFB0  }
0xa3: {  	_ =	swait.ge [sflag:s12], $0x50  }
0xa4: {  	[sflag:s12] =	ssyncset.done $0x0  }
0xa5: {  	[sflag:s12] =	ssyncadd.s32 $0xFFFFFFB0  }
0xa6: {  	[tilespmem:s3], [sflag:$0x1] =	stream.indirect.gather [hbm4b:s1+s13], $0x80, s7, s13, $0xb8;
	[tilespmem:$0x19500] =	vst v63  }
0xa7: {  	s29 =	rddreg [dreg:$0xd]  }
0xa8: {  	[tilespmem:s29], [sflag:$0x1] =	stream.indirect.gather [hbm4b:s1+s13], $0x80, s8, s13, $0xb8;
	[tilespmem:$0x19500] =	vst v63  }
0xa9: {  	s31 =	rddreg [dreg:$0xe]  }
0xaa: {  	[tilespmem:s31], [sflag:$0x1] =	stream.indirect.gather [hbm4b:s1+s13], $0x80, s9, s13, $0xb8;
	[tilespmem:$0x19500] =	vst v63  }
0xab: {  	s29 =	rddreg [dreg:$0xf]  }
0xac: {  	[tilespmem:s29], [sflag:$0x1] =	stream.indirect.gather [hbm4b:s1+s13], $0x80, s10, s13, $0xb8;
	[tilespmem:$0x19500] =	vst v63  }
0xad: {  	s31 =	rddreg [dreg:$0x10]  }
0xae: {  	[tilespmem:s31], [sflag:$0x1] =	stream.indirect.gather [hbm4b:s1+s13], $0x80, s11, s13, $0xb8;
	[tilespmem:$0x19500] =	vst v63  }
0xaf: {  	_ =	swait.ge [sflag:s12], $0x2800  }
0xb0: {  	[sflag:s12] =	ssyncset.done $0x0  }
0xb1: {  	[sflag:s12] =	ssyncadd.s32 $0xFFFFD800  }
0xb2: {  	_ =	swait.ge [sflag:s12], $0x2800  }
0xb3: {  	[sflag:s12] =	ssyncset.done $0x0  }
0xb4: {  	[sflag:s12] =	ssyncadd.s32 $0xFFFFD800  }
0xb5: {  	_ =	swait.ge [sflag:s12], $0x2800  }
0xb6: {  	[sflag:s12] =	ssyncset.done $0x0  }
0xb7: {  	[sflag:s12] =	ssyncadd.s32 $0xFFFFD800  }
0xb8: {  	_ =	swait.ge [sflag:s12], $0x2800  }
0xb9: {  	[sflag:s12] =	ssyncset.done $0x0  }
0xba: {  	[sflag:s12] =	ssyncadd.s32 $0xFFFFD800  }
0xbb: {  	_ =	swait.ge [sflag:s12], $0x2800  }
0xbc: {  	[sflag:s12] =	ssyncset.done $0x0  }
0xbd: {  	s25 =	sadd.s32 $0x3200, s25;
	s29 =	rddreg [dreg:$0x3];
	[sflag:s12] =	ssyncadd.s32 $0xFFFFD800  }
0xbe: {  	[hbm4b:s25+s3] =	stream.linear.scatter [tilespmem:s3], [sflag:$0x1], $0xC800, $0x38;
	[tilespmem:$0x19500] =	vst v63  }
0xbf: {  	s30 =	rddreg [dreg:$0x7];
	s29 =	sadd.s32 s24, s29  }
0xc0: {  	[tilespmem:s14], [sflag:$0x2] =	stream.linear.gather [hbm4b:s29+s3], $0x50, $0x38;
	[tilespmem:$0x19500] =	vst v63  }
0xc1: {  	s31 =	rddreg [dreg:$0x6];
	s29 =	sadd.s32 s24, s30  }
0xc2: {  	[tilespmem:s15], [sflag:$0x2] =	stream.linear.gather [hbm4b:s29+s3], $0x50, $0x38;
	[tilespmem:$0x19500] =	vst v63  }
0xc3: {  	s30 =	rddreg [dreg:$0x5];
	s29 =	sadd.s32 s24, s31  }
0xc4: {  	[tilespmem:s16], [sflag:$0x2] =	stream.linear.gather [hbm4b:s29+s3], $0x50, $0x38;
	[tilespmem:$0x19500] =	vst v63  }
0xc5: {  	s31 =	rddreg [dreg:$0x4];
	s29 =	sadd.s32 s24, s30  }
0xc6: {  	[tilespmem:s17], [sflag:$0x2] =	stream.linear.gather [hbm4b:s29+s3], $0x50, $0x38;
	[tilespmem:$0x19500] =	vst v63  }
0xc7: {  	s29 =	sadd.s32 s24, s31  }
0xc8: {  	[tilespmem:s18], [sflag:$0x2] =	stream.linear.gather [hbm4b:s29+s3], $0x50, $0x38;
	[tilespmem:$0x19500] =	vst v63  }
0xc9: {  	_ =	swait.ge [sflag:s19], $0x50  }
0xca: {  	[sflag:s19] =	ssyncset.done $0x0  }
0xcb: {  	[sflag:s19] =	ssyncadd.s32 $0xFFFFFFB0  }
0xcc: {  	_ =	swait.ge [sflag:s19], $0x50  }
0xcd: {  	[sflag:s19] =	ssyncset.done $0x0  }
0xce: {  	[sflag:s19] =	ssyncadd.s32 $0xFFFFFFB0  }
0xcf: {  	_ =	swait.ge [sflag:s19], $0x50  }
0xd0: {  	[sflag:s19] =	ssyncset.done $0x0  }
0xd1: {  	[sflag:s19] =	ssyncadd.s32 $0xFFFFFFB0  }
0xd2: {  	_ =	swait.ge [sflag:s19], $0x50  }
0xd3: {  	[sflag:s19] =	ssyncset.done $0x0  }
0xd4: {  	[sflag:s19] =	ssyncadd.s32 $0xFFFFFFB0  }
0xd5: {  	_ =	swait.ge [sflag:s19], $0x50  }
0xd6: {  	[sflag:s19] =	ssyncset.done $0x0  }
0xd7: {  	[sflag:s19] =	ssyncadd.s32 $0xFFFFFFB0  }
0xd8: {  	[tilespmem:s20], [sflag:$0x2] =	stream.indirect.gather [hbm4b:s1+s13], $0x80, s14, s13, $0xb8;
	[tilespmem:$0x19500] =	vst v63  }
0xd9: {  	s30 =	rddreg [dreg:$0x11]  }
0xda: {  	[tilespmem:s30], [sflag:$0x2] =	stream.indirect.gather [hbm4b:s1+s13], $0x80, s15, s13, $0xb8;
	[tilespmem:$0x19500] =	vst v63  }
0xdb: {  	s29 =	rddreg [dreg:$0x12]  }
0xdc: {  	[tilespmem:s29], [sflag:$0x2] =	stream.indirect.gather [hbm4b:s1+s13], $0x80, s16, s13, $0xb8;
	[tilespmem:$0x19500] =	vst v63  }
0xdd: {  	s31 =	rddreg [dreg:$0x13]  }
0xde: {  	[tilespmem:s31], [sflag:$0x2] =	stream.indirect.gather [hbm4b:s1+s13], $0x80, s17, s13, $0xb8;
	[tilespmem:$0x19500] =	vst v63  }
0xdf: {  	_ = 	snop  }
0xe0: {  	[tilespmem:s21], [sflag:$0x2] =	stream.indirect.gather [hbm4b:s1+s13], $0x80, s18, s13, $0xb8;
	[tilespmem:$0x19500] =	vst v63  }
0xe1: {  	_ =	swait.ge [sflag:s19], $0x2800  }
0xe2: {  	[sflag:s19] =	ssyncset.done $0x0  }
0xe3: {  	[sflag:s19] =	ssyncadd.s32 $0xFFFFD800  }
0xe4: {  	_ =	swait.ge [sflag:s19], $0x2800  }
0xe5: {  	[sflag:s19] =	ssyncset.done $0x0  }
0xe6: {  	[sflag:s19] =	ssyncadd.s32 $0xFFFFD800  }
0xe7: {  	_ =	swait.ge [sflag:s19], $0x2800  }
0xe8: {  	[sflag:s19] =	ssyncset.done $0x0  }
0xe9: {  	[sflag:s19] =	ssyncadd.s32 $0xFFFFD800  }
0xea: {  	_ =	swait.ge [sflag:s19], $0x2800  }
0xeb: {  	[sflag:s19] =	ssyncset.done $0x0  }
0xec: {  	[sflag:s19] =	ssyncadd.s32 $0xFFFFD800  }
0xed: {  	_ =	swait.ge [sflag:s19], $0x2800  }
0xee: {  	[sflag:s19] =	ssyncset.done $0x0  }
0xef: {  	s23 =	sadd.s32 $0x3200, s23;
	p0 =	sne.s32 s26, $0x960;
	[sflag:s19] =	ssyncadd.s32 $0xFFFFD800  }
0xf0: {  	[hbm4b:s23+s3] =	stream.linear.scatter [tilespmem:s20], [sflag:$0x2], $0xC800, $0x38;
	[tilespmem:$0x19500] =	vst v63  }
.Ltmp0:
0xf1: {  	_ =	swait.ge [sflag:s12], $0xC800;
	(pc) =	sbr.rel @p0 .LBB2_2-.Ltmp0, $4  }
0xf2: {  	[sflag:s12] =	ssyncset.done $0x0  }
0xf3: {  	[sflag:s12] =	ssyncadd.s32 $0xFFFF3800  }
0xf4: {  	s28 =	smov.u32 s26;
	s26 =	sadd.s32 $0x64, s26;
	_ =	swait.ge [sflag:s19], $0xC800  }
0xf5: {  	s24 =	smov.u32 s28;
	s29 =	rddreg [dreg:$0x8];
	[sflag:s19] =	ssyncset.done $0x0  }
0xf6: {  	s26 =	rddreg [dreg:$0xc];
	[sflag:s19] =	ssyncadd.s32 $0xFFFF3800;
	s28 =	sadd.s32 s24, s29  }
0xf7: {  	[tilespmem:s7], [sflag:$0x1] =	stream.linear.gather [hbm4b:s28+s3], $0x50, $0x38;
	[tilespmem:$0x19500] =	vst v63  }
0xf8: {  	s30 =	rddreg [dreg:$0xb];
	s26 =	sadd.s32 s24, s26  }
0xf9: {  	[tilespmem:s8], [sflag:$0x1] =	stream.linear.gather [hbm4b:s26+s3], $0x50, $0x38;
	[tilespmem:$0x19500] =	vst v63  }
0xfa: {  	s28 =	rddreg [dreg:$0xa];
	s31 =	sadd.s32 s24, s30  }
0xfb: {  	[tilespmem:s9], [sflag:$0x1] =	stream.linear.gather [hbm4b:s31+s3], $0x50, $0x38;
	[tilespmem:$0x19500] =	vst v63  }
0xfc: {  	s30 =	rddreg [dreg:$0x9];
	s31 =	sadd.s32 s24, s28  }
0xfd: {  	[tilespmem:s10], [sflag:$0x1] =	stream.linear.gather [hbm4b:s31+s3], $0x50, $0x38;
	[tilespmem:$0x19500] =	vst v63  }
0xfe: {  	s28 =	sadd.s32 s24, s30  }
0xff: {  	[tilespmem:s11], [sflag:$0x1] =	stream.linear.gather [hbm4b:s28+s3], $0x50, $0x38;
	[tilespmem:$0x19500] =	vst v63  }
0x100: {  	_ =	swait.ge [sflag:s12], $0x50  }
0x101: {  	[sflag:s12] =	ssyncset.done $0x0  }
0x102: {  	[sflag:s12] =	ssyncadd.s32 $0xFFFFFFB0  }
0x103: {  	_ =	swait.ge [sflag:s12], $0x50  }
0x104: {  	[sflag:s12] =	ssyncset.done $0x0  }
0x105: {  	[sflag:s12] =	ssyncadd.s32 $0xFFFFFFB0  }
0x106: {  	_ =	swait.ge [sflag:s12], $0x50  }
0x107: {  	[sflag:s12] =	ssyncset.done $0x0  }
0x108: {  	[sflag:s12] =	ssyncadd.s32 $0xFFFFFFB0  }
0x109: {  	_ =	swait.ge [sflag:s12], $0x50  }
0x10a: {  	[sflag:s12] =	ssyncset.done $0x0  }
0x10b: {  	[sflag:s12] =	ssyncadd.s32 $0xFFFFFFB0  }
0x10c: {  	_ =	swait.ge [sflag:s12], $0x50  }
0x10d: {  	[sflag:s12] =	ssyncset.done $0x0  }
0x10e: {  	[sflag:s12] =	ssyncadd.s32 $0xFFFFFFB0  }
0x10f: {  	[tilespmem:s3], [sflag:$0x1] =	stream.indirect.gather [hbm4b:s1+s13], $0x80, s7, s13, $0xb8;
	[tilespmem:$0x19500] =	vst v63  }
0x110: {  	s29 =	rddreg [dreg:$0xd]  }
0x111: {  	[tilespmem:s29], [sflag:$0x1] =	stream.indirect.gather [hbm4b:s1+s13], $0x80, s8, s13, $0xb8;
	[tilespmem:$0x19500] =	vst v63  }
0x112: {  	s30 =	rddreg [dreg:$0xe]  }
0x113: {  	[tilespmem:s30], [sflag:$0x1] =	stream.indirect.gather [hbm4b:s1+s13], $0x80, s9, s13, $0xb8;
	[tilespmem:$0x19500] =	vst v63  }
0x114: {  	s31 =	rddreg [dreg:$0xf]  }
0x115: {  	[tilespmem:s31], [sflag:$0x1] =	stream.indirect.gather [hbm4b:s1+s13], $0x80, s10, s13, $0xb8;
	[tilespmem:$0x19500] =	vst v63  }
0x116: {  	s29 =	rddreg [dreg:$0x10]  }
0x117: {  	[tilespmem:s29], [sflag:$0x1] =	stream.indirect.gather [hbm4b:s1+s13], $0x80, s11, s13, $0xb8;
	[tilespmem:$0x19500] =	vst v63  }
0x118: {  	_ =	swait.ge [sflag:s12], $0x2800  }
0x119: {  	[sflag:s12] =	ssyncset.done $0x0  }
0x11a: {  	[sflag:s12] =	ssyncadd.s32 $0xFFFFD800  }
0x11b: {  	_ =	swait.ge [sflag:s12], $0x2800  }
0x11c: {  	[sflag:s12] =	ssyncset.done $0x0  }
0x11d: {  	[sflag:s12] =	ssyncadd.s32 $0xFFFFD800  }
0x11e: {  	_ =	swait.ge [sflag:s12], $0x2800  }
0x11f: {  	[sflag:s12] =	ssyncset.done $0x0  }
0x120: {  	[sflag:s12] =	ssyncadd.s32 $0xFFFFD800  }
0x121: {  	_ =	swait.ge [sflag:s12], $0x2800  }
0x122: {  	[sflag:s12] =	ssyncset.done $0x0  }
0x123: {  	[sflag:s12] =	ssyncadd.s32 $0xFFFFD800  }
0x124: {  	_ =	swait.ge [sflag:s12], $0x2800  }
0x125: {  	[sflag:s12] =	ssyncset.done $0x0  }
0x126: {  	s25 =	sadd.s32 $0x3200, s25;
	s30 =	rddreg [dreg:$0x3];
	[sflag:s12] =	ssyncadd.s32 $0xFFFFD800  }
0x127: {  	[hbm4b:s25+s3] =	stream.linear.scatter [tilespmem:s3], [sflag:$0x1], $0xC800, $0x38;
	[tilespmem:$0x19500] =	vst v63  }
0x128: {  	s31 =	rddreg [dreg:$0x7];
	s26 =	sadd.s32 s24, s30  }
0x129: {  	[tilespmem:s14], [sflag:$0x2] =	stream.linear.gather [hbm4b:s26+s3], $0x50, $0x38;
	[tilespmem:$0x19500] =	vst v63  }
0x12a: {  	s29 =	rddreg [dreg:$0x6];
	s30 =	sadd.s32 s24, s31  }
0x12b: {  	[tilespmem:s15], [sflag:$0x2] =	stream.linear.gather [hbm4b:s30+s3], $0x50, $0x38;
	[tilespmem:$0x19500] =	vst v63  }
0x12c: {  	s31 =	rddreg [dreg:$0x5];
	s29 =	sadd.s32 s24, s29  }
0x12d: {  	[tilespmem:s16], [sflag:$0x2] =	stream.linear.gather [hbm4b:s29+s3], $0x50, $0x38;
	[tilespmem:$0x19500] =	vst v63  }
0x12e: {  	s31 =	sadd.s32 s24, s31;
	s30 =	rddreg [dreg:$0x4]  }
0x12f: {  	[tilespmem:s17], [sflag:$0x2] =	stream.linear.gather [hbm4b:s31+s3], $0x50, $0x38;
	[tilespmem:$0x19500] =	vst v63  }
0x130: {  	s28 =	sadd.s32 s24, s30  }
0x131: {  	[tilespmem:s18], [sflag:$0x2] =	stream.linear.gather [hbm4b:s28+s3], $0x50, $0x38;
	[tilespmem:$0x19500] =	vst v63  }
0x132: {  	_ =	swait.ge [sflag:s19], $0x50  }
0x133: {  	[sflag:s19] =	ssyncset.done $0x0  }
0x134: {  	[sflag:s19] =	ssyncadd.s32 $0xFFFFFFB0  }
0x135: {  	_ =	swait.ge [sflag:s19], $0x50  }
0x136: {  	[sflag:s19] =	ssyncset.done $0x0  }
0x137: {  	[sflag:s19] =	ssyncadd.s32 $0xFFFFFFB0  }
0x138: {  	_ =	swait.ge [sflag:s19], $0x50  }
0x139: {  	[sflag:s19] =	ssyncset.done $0x0  }
0x13a: {  	[sflag:s19] =	ssyncadd.s32 $0xFFFFFFB0  }
0x13b: {  	_ =	swait.ge [sflag:s19], $0x50  }
0x13c: {  	[sflag:s19] =	ssyncset.done $0x0  }
0x13d: {  	[sflag:s19] =	ssyncadd.s32 $0xFFFFFFB0  }
0x13e: {  	_ =	swait.ge [sflag:s19], $0x50  }
0x13f: {  	[sflag:s19] =	ssyncset.done $0x0  }
0x140: {  	[sflag:s19] =	ssyncadd.s32 $0xFFFFFFB0  }
0x141: {  	[tilespmem:s20], [sflag:$0x2] =	stream.indirect.gather [hbm4b:s1+s13], $0x80, s14, s13, $0xb8;
	[tilespmem:$0x19500] =	vst v63  }
0x142: {  	s29 =	rddreg [dreg:$0x11]  }
0x143: {  	[tilespmem:s29], [sflag:$0x2] =	stream.indirect.gather [hbm4b:s1+s13], $0x80, s15, s13, $0xb8;
	[tilespmem:$0x19500] =	vst v63  }
0x144: {  	s30 =	rddreg [dreg:$0x12]  }
0x145: {  	[tilespmem:s30], [sflag:$0x2] =	stream.indirect.gather [hbm4b:s1+s13], $0x80, s16, s13, $0xb8;
	[tilespmem:$0x19500] =	vst v63  }
0x146: {  	s31 =	rddreg [dreg:$0x13]  }
0x147: {  	[tilespmem:s31], [sflag:$0x2] =	stream.indirect.gather [hbm4b:s1+s13], $0x80, s17, s13, $0xb8;
	[tilespmem:$0x19500] =	vst v63  }
0x148: {  	_ = 	snop  }
0x149: {  	[tilespmem:s21], [sflag:$0x2] =	stream.indirect.gather [hbm4b:s1+s13], $0x80, s18, s13, $0xb8;
	[tilespmem:$0x19500] =	vst v63  }
0x14a: {  	_ =	swait.ge [sflag:s19], $0x2800  }
0x14b: {  	[sflag:s19] =	ssyncset.done $0x0  }
0x14c: {  	[sflag:s19] =	ssyncadd.s32 $0xFFFFD800  }
0x14d: {  	_ =	swait.ge [sflag:s19], $0x2800  }
0x14e: {  	[sflag:s19] =	ssyncset.done $0x0  }
0x14f: {  	[sflag:s19] =	ssyncadd.s32 $0xFFFFD800  }
0x150: {  	_ =	swait.ge [sflag:s19], $0x2800  }
0x151: {  	[sflag:s19] =	ssyncset.done $0x0  }
0x152: {  	[sflag:s19] =	ssyncadd.s32 $0xFFFFD800  }
0x153: {  	_ =	swait.ge [sflag:s19], $0x2800  }
0x154: {  	[sflag:s19] =	ssyncset.done $0x0  }
0x155: {  	[sflag:s19] =	ssyncadd.s32 $0xFFFFD800  }
0x156: {  	_ =	swait.ge [sflag:s19], $0x2800  }
0x157: {  	[sflag:s19] =	ssyncset.done $0x0  }
0x158: {  	s23 =	sadd.s32 $0x3200, s23;
	s22 =	sadd.s32 $0x1, s22;
	[sflag:s19] =	ssyncadd.s32 $0xFFFFD800  }
0x159: {  	[hbm4b:s23+s3] =	stream.linear.scatter [tilespmem:s20], [sflag:$0x2], $0xC800, $0x38;
	[tilespmem:$0x19500] =	vst v63  }
0x15a: {  	p0 =	sne.s32 s22, s4;
	_ =	swait.ge [sflag:s12], $0xC800  }
.Ltmp1:
0x15b: {  	[sflag:s12] =	ssyncset.done $0x0;
	(pc) =	sbr.rel @p0 .LBB2_1-.Ltmp1, $4  }
0x15c: {  	[sflag:s12] =	ssyncadd.s32 $0xFFFF3800  }
0x15d: {  	_ =	swait.ge [sflag:s19], $0xC800  }
0x15e: {  	[sflag:s19] =	ssyncset.done $0x0  }
0x15f: {  	[sflag:s19] =	ssyncadd.s32 $0xFFFF3800  }
0x160: {  	_ =	sfence.sel $0x180000  }
0x161: {  	[bflag:$0x0] =	sbarrier.arrive $0xFFFF  }
0x162: {  	p0 =	sne.s32 s2, $0x0;
	_ =	strace $0x9000004D  }
0x163: {  	s0 =	sadd.s32 @!p0 $0x100000, s0;
	[bflag:$0x2] =	sbarrier.arrive $0xFFFF  }
0x164: {  	[sflag:s0] =	ssyncadd.tile.s32 @!p0 $0x1;
	_ =	shalt  }
.Lfunc_end2:
_tile_overlayer_lowered:
.L_overlay_start_2:
0x165: {  	(tag) =	ssettag $0x2  }
0x166: {  	s0 =	rddreg [dreg:$0x0];
	s2 =	stileid.u32  }
0x167: {  	s1 =	rddreg [dreg:$0x1];
	p0 =	sne.s32 s2, $0x0  }
0x168: {  	s3 =	rddreg [dreg:$0x2];
	[bflag:$0x3] =	sbarrier.arrive $0xFFFF;
	s2 =	simm.s32 @!p0 $0x1C03  }
0x169: {  	[timem:s3], [sflag:s2] =	dma.local @!p0 [hbm:s0], s1  }
0x16a: {  	s0 =	simm.s32 @!p0 $0x3  }
0x16b: {  	_ =	swait.ge @!p0 [sflag:s0], s1  }
0x16c: {  	s1 =	ssub.s32 @!p0 $0x0, s1;
	[sflag:s0] =	ssyncset.done @!p0 $0x0  }
0x16d: {  	[sflag:s0] =	ssyncadd.s32 @!p0 s1  }
0x16e: {  	[bflag:$0x3] =	sbarrier.arrive $0xFFFF  }
0x16f: {  	_ =	shalt  }

// kernel: kernel.7.cloned.1.call-start
scs
__scs_entry_jumppad:
0x0: {  	(pc) =	sbr.rel $0x88, $3  }
0x1: {  	(tag) =	ssettag $0x0;
	lr =	simm.s32 $0x1  }
0x2: {  	[smem:$0x3F9C] =	sst lr;
	_ =	strace $0xD0000000  }
0x3: {  	_ = 	snop  }
0x4: {  	_ = 	snop  }
0x5: {  	_ = 	snop  }
0x6: {  	_ = 	snop  }
0x7: {  	_ = 	snop  }
__scs_overlays_trampoline_lowered:
0x8: {  	[smem:$0x3FAB] =	sst s0  }
0x9: {  	[smem:$0x3FAC] =	sst s1  }
0xa: {  	[smem:$0x3FAD] =	sst s2  }
0xb: {  	[smem:$0x3FAE] =	sst s3  }
0xc: {  	[smem:$0x3FAF] =	sst s4  }
0xd: {  	[smem:$0x3FB0] =	sst s5  }
0xe: {  	[smem:$0x3FB1] =	sst s6  }
0xf: {  	[smem:$0x3FB2] =	sst s7  }
0x10: {  	[smem:$0x3FB3] =	sst s8  }
0x11: {  	[smem:$0x3FB4] =	sst s9;
	s0 =	simm.s32 @!p0 $0x0  }
0x12: {  	s1 =	sld [smem:$0x3F9A];
	s0 =	simm.s32 @p0 $0x1  }
0x13: {  	[smem:$0x3FB5] =	sst s0;
	s0 =	simm.s32 @!p1 $0x0  }
0x14: {  	s2 =	sld [smem:$0x3F99];
	s0 =	simm.s32 @p1 $0x1  }
0x15: {  	[smem:$0x3FB6] =	sst s0;
	s0 =	simm.s32 @!p2 $0x0  }
0x16: {  	s3 =	sld [smem:$0x3FDB];
	s0 =	simm.s32 @p2 $0x1  }
0x17: {  	s4 =	simm.s32 $0x1BF5;
	[smem:$0x3FB8] =	sst s0  }
0x18: {  	s0 =	sld [smem:$0x3F9B];
	_ =	swait.ge [sflag:s4], $0x0  }
0x19: {  	s7 =	sld [smem:$0x3F9C]  }
0x1a: {  	s8 =	sadd.s32 $0xFFFFE003, lr  }
0x1b: {  	s9 =	sadd.s32 $0xFFFFFEF7, lr;
	s5 =	simm.s32 $0xFFFFFFFF;
	p2 =	slt.u32 s8, $0xFFFFF086  }
0x1c: {  	p1 =	slt.u32 s9, $0xF7A;
	s5 =	simm.s32 @!p2 $0x0  }
0x1d: {  	s5 =	simm.s32 @p1 $0x1;
	p0 =	seq.s32 s7, s2  }
0x1e: {  	s7 =	smul.u32 @!p0 $0xF7A, s2;
	p2 =	seq.s32 @!p0 s5, $0x0  }
0x1f: {  	s9 =	smul.u32 $0xF7A, s1;
	s8 =	simm.s32 @!p0 $0x1BF5;
	p2 =	por !p2, p0  }
0x20: {  	[sflag:s8] =	ssyncset.s32 @!p0 $0xFFFFF086;
	s6 =	sadd.s32 @!p0 s3, s7;
	s7 =	simm.s32 @!p0 $0x108  }
0x21: {  	s3 =	sadd.s32 s3, s9;
	s6 =	sadd.s32 @!p0 $0x88, s6;
	s7 =	simm.s32 @p2 $0x1082  }
0x22: {  	[simem:s7], [sflag:s8] =	dma.local @!p0 [hbm:s6], $0xF7A  }
0x23: {  	s9 =	sor.u32 $0xD0000000, s2;
	s6 =	simm.s32 $0x108;
	_ =	swait.ge @!p0 [sflag:s8], $0x0  }
0x24: {  	s3 =	sadd.s32 $0x88, s3;
	s6 =	simm.s32 @!p1 $0x1082;
	[sflag:s4] =	ssyncset.s32 $0xFFFFF086  }
0x25: {  	[simem:s6], [sflag:s4] =	dma.local [hbm:s3], $0xF7A  }
0x26: {  	[smem:$0x3F9C] =	sst s1;
	(tag) =	ssettag s2;
	_ =	strace s9  }
0x27: {  	s1 =	sld [smem:$0x3FAC]  }
0x28: {  	s2 =	sld [smem:$0x3FAD]  }
0x29: {  	s4 =	sld [smem:$0x3FAF]  }
0x2a: {  	p0 =	seq.s32 s5, $0x0;
	s5 =	sld [smem:$0x3FB0]  }
0x2b: {  	s6 =	sld [smem:$0x3FB1]  }
0x2c: {  	s7 =	sld [smem:$0x3FB2]  }
0x2d: {  	s3 =	simm.s32 $0x108;
	s8 =	sld [smem:$0x3FB3]  }
0x2e: {  	s3 =	simm.s32 @!p0 $0x1082;
	s9 =	sld [smem:$0x3FB4]  }
0x2f: {  	lr =	sadd.s32 s0, s3;
	s0 =	sld [smem:$0x3FAB]  }
0x30: {  	s3 =	sld [smem:$0x3FAE]  }
0x31: {  	[smem:$0x3FB7] =	sst s10  }
0x32: {  	s10 =	sld [smem:$0x3FB5];
	_ =	sdelay $0x3  }
0x33: {  	p0 =	seq.s32 s10, $0x1;
	s10 =	sld [smem:$0x3FB7];
	_ =	sdelay $0x3  }
0x34: {  	[smem:$0x3FB7] =	sst s10  }
0x35: {  	s10 =	sld [smem:$0x3FB6];
	_ =	sdelay $0x3  }
0x36: {  	p1 =	seq.s32 s10, $0x1;
	s10 =	sld [smem:$0x3FB7];
	_ =	sdelay $0x3  }
0x37: {  	[smem:$0x3FB7] =	sst s10  }
0x38: {  	s10 =	sld [smem:$0x3FB8]  }
0x39: {  	_ = 	snop;
	(pc) =	sbr.ind lr, $3  }
0x3a: {  	_ = 	snop  }
0x3b: {  	_ = 	snop  }
0x3c: {  	p2 =	seq.s32 s10, $0x1;
	s10 =	sld [smem:$0x3FB7]  }
0x3d: {  	_ =	shalt  }
0x3e: {  	_ =	shalt  }
0x3f: {  	_ =	shalt  }
0x40: {  	_ =	shalt  }
0x41: {  	_ =	shalt  }
0x42: {  	_ =	shalt  }
0x43: {  	_ =	shalt  }
0x44: {  	_ =	shalt  }
0x45: {  	_ =	shalt  }
0x46: {  	_ =	shalt  }
0x47: {  	_ =	shalt  }
0x48: {  	_ =	shalt  }
0x49: {  	_ =	shalt  }
0x4a: {  	_ =	shalt  }
0x4b: {  	_ =	shalt  }
0x4c: {  	_ =	shalt  }
0x4d: {  	_ =	shalt  }
0x4e: {  	_ =	shalt  }
0x4f: {  	_ =	shalt  }
0x50: {  	_ =	shalt  }
0x51: {  	_ =	shalt  }
0x52: {  	_ =	shalt  }
0x53: {  	_ =	shalt  }
0x54: {  	_ =	shalt  }
0x55: {  	_ =	shalt  }
0x56: {  	_ =	shalt  }
0x57: {  	_ =	shalt  }
0x58: {  	_ =	shalt  }
0x59: {  	_ =	shalt  }
0x5a: {  	_ =	shalt  }
0x5b: {  	_ =	shalt  }
0x5c: {  	_ =	shalt  }
0x5d: {  	_ =	shalt  }
0x5e: {  	_ =	shalt  }
0x5f: {  	_ =	shalt  }
0x60: {  	_ =	shalt  }
0x61: {  	_ =	shalt  }
0x62: {  	_ =	shalt  }
0x63: {  	_ =	shalt  }
0x64: {  	_ =	shalt  }
0x65: {  	_ =	shalt  }
0x66: {  	_ =	shalt  }
0x67: {  	_ =	shalt  }
0x68: {  	_ =	shalt  }
0x69: {  	_ =	shalt  }
0x6a: {  	_ =	shalt  }
0x6b: {  	_ =	shalt  }
0x6c: {  	_ =	shalt  }
0x6d: {  	_ =	shalt  }
0x6e: {  	_ =	shalt  }
0x6f: {  	_ =	shalt  }
0x70: {  	_ =	shalt  }
0x71: {  	_ =	shalt  }
0x72: {  	_ =	shalt  }
0x73: {  	_ =	shalt  }
0x74: {  	_ =	shalt  }
0x75: {  	_ =	shalt  }
0x76: {  	_ =	shalt  }
0x77: {  	_ =	shalt  }
0x78: {  	_ =	shalt  }
0x79: {  	_ =	shalt  }
0x7a: {  	_ =	shalt  }
0x7b: {  	_ =	shalt  }
0x7c: {  	_ =	shalt  }
0x7d: {  	_ =	shalt  }
0x7e: {  	_ =	shalt  }
0x7f: {  	_ =	shalt  }
0x80: {  	_ =	shalt  }
0x81: {  	_ =	shalt  }
0x82: {  	_ =	shalt  }
0x83: {  	_ =	shalt  }
0x84: {  	_ =	shalt  }
0x85: {  	_ =	shalt  }
0x86: {  	_ =	shalt  }
0x87: {  	_ =	shalt  }
.Lfunc_end0:
.L_simem_size_0:
called_computation_lowered:
.L_overlay_start_0:
0x88: {  	s2 =	sld [smem:$0x3FD9]  }
0x89: {  	s3 =	sld [smem:$0x3FFE];
	_ =	sdelay $0x1  }
0x8a: {  	s1 =	srdreg.scid  }
0x8b: {  	s0 =	sand.u32 $0x1, s1  }
0x8c: {  	s17 =	sshll.u32 s0, $0xA;
	s2 =	sadd.s32 s3, s2  }
0x8d: {  	s2 =	sadd.s32 s2, s17  }
0x8e: {  	[smem:$0x3FC3] =	sst s2  }
0x8f: {  	_ = 	snop  }
0x90: {  	s4 =	sld [smem:$0x3FC9]  }
0x91: {  	s18 =	sld [smem:$0x3FD0];
	(tm) =	ssettm $0x1  }
0x92: {  	s19 =	sld [smem:$0x3FFB];
	_ =	sdelay $0x3  }
0x93: {  	_ =	strace s19  }
0x94: {  	s2 =	sld [smem:$0x3FFC];
	_ =	sdelay $0x3  }
0x95: {  	_ =	strace s2  }
0x96: {  	s2 =	sld [smem:$0x3FFD];
	_ =	sdelay $0x3  }
0x97: {  	_ =	strace s2  }
0x98: {  	_ =	strace $0x8FFFFFFF  }
0x99: {  	s20 =	sld [smem:$0x3FDB];
	_ =	sdelay $0x1  }
0x9a: {  	s5 =	simm.s32 $_scs_section_size  }
0x9b: {  	s6 =	simm.s32 $_size__tile_overlayer_lowered;
	s7 =	simm.s32 $_tile_overlayer_lowered  }
0x9c: {  	s8 =	simm.s32 $0x1BFF;
	s21 =	sshll.u32 s7, $0x1;
	s5 =	sadd.s32 s5, s20  }
0x9d: {  	s22 =	simm.s32 $0x0;
	s6 =	sshll.u32 s6, $0x1;
	s7 =	sadd.s32 s21, s5  }
0x9e: {  	[timem:s22], [sflag:s8] =	dma.local [hbm:s7], s6  }
0x9f: {  	_ =	swait.ge [sflag:s8], s6  }
0xa0: {  	s6 =	ssub.s32 $0x0, s6;
	[sflag:s8] =	ssyncset.done $0x0  }
0xa1: {  	[sflag:s8] =	ssyncadd.s32 s6;
	_ =	sdelay $0x1  }
0xa2: {  	s23 =	simm.s32 $0x1B8B  }
0xa3: {  	_ =	swait.ge [sflag:s23], $0x1  }
0xa4: {  	[sflag:s23] =	ssyncset.done $0x0  }
0xa5: {  	[sflag:s23] =	ssyncadd.s32 $0xFFFFFFFF  }
0xa6: {  	s6 =	sld [smem:$0x0]  }
0xa7: {  	s7 =	sand.u32 $0xFFFFFFFE, s1  }
0xa8: {  	p0 =	sne.s32 s1, s7  }
0xa9: {  	s7 =	sshll.u32 @p0 s7, $0xE  }
0xaa: {  	s7 =	sadd.s32 @p0 $0x11B8D, s7;
	s8 =	sshll.u32 @p0 s6, $0x11  }
0xab: {  	s7 =	sor.u32 @p0 s8, s7  }
0xac: {  	[sflag:s7] =	ssyncadd.remote.s32 @p0 $0x1;
	_ =	sdelay $0x1  }
0xad: {  	s7 =	simm.s32 @p0 $0x1B8D  }
0xae: {  	_ =	swait.eq @p0 [sflag:s7], $0x1  }
0xaf: {  	[sflag:s7] =	ssyncadd.s32 @p0 $0xFFFFFFFF  }
0xb0: {  	s8 =	sshll.u32 @!p0 s1, $0xE  }
0xb1: {  	s8 =	sor.u32 @!p0 $0x4000, s8;
	s7 =	simm.s32 @!p0 $0x1B8D  }
0xb2: {  	s6 =	sshll.u32 @!p0 s6, $0x11;
	s8 =	sadd.s32 @!p0 $0x11B8D, s8;
	_ =	swait.eq @!p0 [sflag:s7], $0x1  }
0xb3: {  	s6 =	sor.u32 @!p0 s6, s8;
	[sflag:s7] =	ssyncadd.s32 @!p0 $0xFFFFFFFF  }
0xb4: {  	s25 =	simm.s32 $0x1B8E;
	s24 =	sld [smem:$0x3FFE];
	[sflag:s6] =	ssyncadd.remote.s32 @!p0 $0x1  }
0xb5: {  	s26 =	simm.s32 $execute0_lowered;
	[smem:$0x3FD2] =	sst s25  }
0xb6: {  	s7 =	sshll.u32 s26, $0x1;
	_ =	strace $0x80000049;
	[dreg:$0x1] =	wrdreg $0xFFFFFFFF  }
0xb7: {  	s28 =	simm.s32 $_size_execute0_lowered;
	s5 =	sadd.s32 s5, s7;
	[dreg:$0x0] =	wrdreg $0x0  }
0xb8: {  	s7 =	sshll.u32 s28, $0x1;
	[dreg:$0x2] =	wrdreg s5  }
0xb9: {  	[dreg:$0x3] =	wrdreg s7  }
0xba: {  	[dreg:$0x4] =	wrdreg $0xC0  }
0xbb: {  	_ =	task [dreg:s22], $0x5FFFF  }
0xbc: {  	[dreg:$0x1] =	wrdreg $0xFFFFFFFF  }
0xbd: {  	[dreg:$0x0] =	wrdreg $0x60  }
0xbe: {  	[dreg:$0x2] =	wrdreg s4  }
0xbf: {  	[dreg:$0x3] =	wrdreg s24  }
0xc0: {  	[dreg:$0x4] =	wrdreg s18  }
0xc1: {  	[dreg:$0x5] =	wrdreg $0xA2000  }
0xc2: {  	[dreg:$0x6] =	wrdreg $0x9  }
0xc3: {  	_ =	task.clear_ibuf [dreg:s22], $0x7FFFF;
	_ =	strace $0x90000049  }
0xc4: {  	s29 =	simm.s32 $0x9;
	_ =	strace $0x8000004B  }
0xc5: {  	_ =	swait.ge [sflag:s29], $0x1  }
0xc6: {  	[sflag:s29] =	ssyncadd.s32 $0xFFFFFFFF  }
0xc7: {  	_ =	strace $0x9000004B  }
0xc8: {  	_ =	sfence  }
0xc9: {  	s30 =	sld [smem:$0x0];
	_ =	sdelay $0x2  }
0xca: {  	s31 =	sshll.u32 s1, $0xD;
	s1 =	sshrl.u32 s1, $0x2  }
0xcb: {  	s4 =	sand.u32 $0x4000, s31;
	s1 =	sadd.s32 s1, s30  }
0xcc: {  	s0 =	sor.u32 s4, s0;
	s1 =	sshll.u32 s1, $0x11  }
0xcd: {  	s0 =	sor.u32 s1, s0  }
0xce: {  	s0 =	sadd.s32 $0x8F2B, s0  }
0xcf: {  	[sflag:s0] =	ssyncadd.remote.s32 $0x1  }
0xd0: {  	_ =	sfence.sel $0xFFFF  }
0xd1: {  	[dreg:$0x0] =	wrdreg $0xFFFFFFFF;
	(pc) =	sbr.abs _section_cstart, $3  }
0xd2: {  	[dreg:$0x1] =	wrdreg $0xFFFFFFFF  }
0xd3: {  	_ =	task.clear_ibuf [dreg:s22], $0x2FFFF;
	_ =	strace $0x9FFFFFFF  }
0xd4: {  	(tm) =	ssettm $0x7FFFFFFF  }
0xd5: {  	_ =	shalt  }
tec
execute0_lowered:
.L_overlay_start_1:
0x0: {  	(tag) =	ssettag $0x1  }
0x1: {  	s0 =	rddreg [dreg:$0x0]  }
0x2: {  	s1 =	rddreg [dreg:$0x1]  }
0x3: {  	s9 =	rddreg [dreg:$0x2];
	s17 =	stileid.u32  }
0x4: {  	s2 =	rddreg [dreg:$0x3];
	s3 =	simm.s32 $0x0;
	s8 =	smul.u32 $0x14000, s17  }
0x5: {  	s4 =	srdreg.scid;
	s28 =	simm.s32 $0x7800;
	s5 =	smul.u32 $0x50000, s17  }
0x6: {  	s29 =	simm.s32 $0x0;
	[smem:$0x7FF] =	sst s3;
	s10 =	smul.u32 $0x4E20, s17  }
0x7: {  	s15 =	sadd.s32 $0x1C00, s1;
	s4 =	sand.u32 $0x1, s4;
	s20 =	smul.u32 $0x4E200, s17  }
0x8: {  	_ =	strace $0x8000004A;
	s7 =	ssub.s32 $0x2, s4;
	s11 =	smul.u32 $0x4E200, s4  }
0x9: {  	s14 =	smul.u32 $0x140000, s4;
	s6 =	sshrl.u32 s8, $0x3;
	s26 =	sshrl.u32 s7, $0x1  }
0xa: {  	s12 =	sadd.s32 $0x4D80, s10;
	s5 =	sshrl.u32 s5, $0x2;
	s1 =	sadd.s32 s6, s1  }
0xb: {  	s13 =	ssub.s32 s7, s26;
	s30 =	sadd.s32 s11, s12;
	s16 =	sadd.s32 s5, s2  }
0xc: {  	s6 =	sshll.u32 s17, $0x6;
	s18 =	sadd.s32 s8, s14;
	s19 =	sshll.u32 s12, $0x4  }
0xd: {  	s21 =	sadd.s32 s10, s11;
	s17 =	simm.s32 $0x3;
	s31 =	sshrl.u32 s30, $0x3  }
0xe: {  	s1 =	sadd.s32 $0x15C00, s1;
	s6 =	sor.u32 $0x1C03, s6;
	s8 =	sadd.s32 s0, s19  }
0xf: {  	s10 =	smax.u32 s13, $0x1;
	s0 =	sadd.s32 s20, s0;
	s22 =	sadd.s32 $0xA0, s21  }
0x10: {  	s24 =	sadd.s32 $0xF0, s21;
	s26 =	sadd.s32 $0x50, s21;
	s30 =	sshrl.u32 s21, $0x3  }
0x11: {  	s16 =	sshrl.u32 s16, $0x3;
	s19 =	simm.s32 $0xA080;
	s20 =	simm.s32 $0x1  }
0x12: {  	s21 =	simm.s32 $0x50;
	[dreg:$0x5] =	wrdreg s1;
	s5 =	sadd.s32 s15, s31  }
0x13: {  	s1 =	sshrl.u32 s18, $0x3;
	s11 =	sadd.s32 $0xA00, s0;
	s23 =	sshrl.u32 s22, $0x3  }
0x14: {  	s25 =	sshrl.u32 s24, $0x3;
	s31 =	sshrl.u32 s26, $0x3;
	s14 =	sadd.s32 s30, s15  }
0x15: {  	s18 =	simm.s32 $0xA000;
	s22 =	simm.s32 $0x2800;
	s24 =	simm.s32 $0xA180  }
0x16: {  	s26 =	simm.s32 $0x2;
	s7 =	sadd.s32 $0xA, s5;
	s9 =	sadd.s32 s9, s1  }
0x17: {  	s12 =	sadd.s32 s23, s15;
	s13 =	sadd.s32 s25, s15;
	s15 =	sadd.s32 s31, s15  }
0x18: {  	s23 =	simm.s32 $0xA100;
	s25 =	simm.s32 $0x5000;
	[dreg:$0x6] =	wrdreg s7  }
.LBB2_1:
0x19: {  	s0 =	rddreg [dreg:$0x5]  }
0x1a: {  	[spmem:s16], [sflag:s6] =	dma.local [hbm:s0], $0x2800  }
0x1b: {  	_ =	swait.ge [sflag:s17], $0x2800  }
0x1c: {  	[sflag:s17] =	ssyncset.done $0x0  }
0x1d: {  	[sflag:s17] =	ssyncadd.s32 $0xFFFFD800  }
0x1e: {  	s4 =	sadd.s32 $0x0, s14;
	[bflag:$0x0] =	sbarrier.arrive $0xFFFF  }
0x1f: {  	[tilespmem:s18], [sflag:$0x1] =	stream.linear.gather [hbm4b:s4+s3], $0x50, $0x38;
	[tilespmem:$0x1E200] =	vst v63  }
0x20: {  	s7 =	sadd.s32 $0x0, s15  }
0x21: {  	[tilespmem:s19], [sflag:$0x1] =	stream.linear.gather [hbm4b:s7+s3], $0x50, $0x38;
	[tilespmem:$0x1E200] =	vst v63  }
0x22: {  	s1 =	sadd.s32 $0xFFFFF600, s11  }
0x23: {  	[tilespmem:s3], [sflag:$0x1] =	stream.linear.gather [hbm4b:s1+s3], $0x5000, $0x38;
	[tilespmem:$0x1E200] =	vst v63  }
0x24: {  	_ =	swait.ge [sflag:s20], $0x50  }
0x25: {  	[sflag:s20] =	ssyncset.done $0x0  }
0x26: {  	[sflag:s20] =	ssyncadd.s32 $0xFFFFFFB0  }
0x27: {  	_ =	swait.ge [sflag:s20], $0x50  }
0x28: {  	[sflag:s20] =	ssyncset.done $0x0  }
0x29: {  	[sflag:s20] =	ssyncadd.s32 $0xFFFFFFB0  }
0x2a: {  	_ =	swait.ge [sflag:s20], $0x5000  }
0x2b: {  	[sflag:s20] =	ssyncset.done $0x0  }
0x2c: {  	[sflag:s20] =	ssyncadd.s32 $0xFFFFB000  }
0x2d: {  	[spmem:s2] =	stream.indirect.scatter.add.f32 [tilespmem:s3], [sflag:$0x1], $0x80, s18, s21, $0xb8;
	[tilespmem:$0x1E200] =	vst v63  }
0x2e: {  	_ = 	snop  }
0x2f: {  	[spmem:s2] =	stream.indirect.scatter.add.f32 [tilespmem:s22], [sflag:$0x1], $0x80, s19, s21, $0xb8;
	[tilespmem:$0x1E200] =	vst v63  }
0x30: {  	s4 =	sadd.s32 $0x0, s12  }
0x31: {  	[tilespmem:s23], [sflag:$0x2] =	stream.linear.gather [hbm4b:s4+s3], $0x50, $0x38;
	[tilespmem:$0x1E200] =	vst v63  }
0x32: {  	s7 =	sadd.s32 $0x0, s13  }
0x33: {  	[tilespmem:s24], [sflag:$0x2] =	stream.linear.gather [hbm4b:s7+s3], $0x50, $0x38;
	[tilespmem:$0x1E200] =	vst v63  }
0x34: {  	_ = 	snop  }
0x35: {  	[tilespmem:s25], [sflag:$0x2] =	stream.linear.gather [hbm4b:s11+s3], $0x5000, $0x38;
	[tilespmem:$0x1E200] =	vst v63  }
0x36: {  	_ =	swait.ge [sflag:s20], $0x2800  }
0x37: {  	[sflag:s20] =	ssyncset.done $0x0  }
0x38: {  	[sflag:s20] =	ssyncadd.s32 $0xFFFFD800  }
0x39: {  	_ =	swait.ge [sflag:s20], $0x2800  }
0x3a: {  	[sflag:s20] =	ssyncset.done $0x0  }
0x3b: {  	[sflag:s20] =	ssyncadd.s32 $0xFFFFD800  }
0x3c: {  	_ =	swait.ge [sflag:s26], $0x50  }
0x3d: {  	[sflag:s26] =	ssyncset.done $0x0  }
0x3e: {  	[sflag:s26] =	ssyncadd.s32 $0xFFFFFFB0  }
0x3f: {  	_ =	swait.ge [sflag:s26], $0x50  }
0x40: {  	[sflag:s26] =	ssyncset.done $0x0  }
0x41: {  	[sflag:s26] =	ssyncadd.s32 $0xFFFFFFB0  }
0x42: {  	_ =	swait.ge [sflag:s26], $0x5000  }
0x43: {  	[sflag:s26] =	ssyncset.done $0x0  }
0x44: {  	[sflag:s26] =	ssyncadd.s32 $0xFFFFB000  }
0x45: {  	[spmem:s2] =	stream.indirect.scatter.add.f32 [tilespmem:s25], [sflag:$0x2], $0x80, s23, s21, $0xb8;
	[tilespmem:$0x1E200] =	vst v63  }
0x46: {  	_ = 	snop  }
0x47: {  	[spmem:s2] =	stream.indirect.scatter.add.f32 [tilespmem:s28], [sflag:$0x2], $0x80, s24, s21, $0xb8;
	[tilespmem:$0x1E200] =	vst v63  }
0x48: {  	_ =	swait.ge [sflag:s26], $0x2800  }
0x49: {  	[sflag:s26] =	ssyncset.done $0x0  }
0x4a: {  	[sflag:s26] =	ssyncadd.s32 $0xFFFFD800  }
0x4b: {  	s30 =	simm.s32 $0x28;
	_ =	swait.ge [sflag:s26], $0x2800  }
0x4c: {  	s31 =	sadd.s32 $0x1400, s11;
	s0 =	simm.s32 $0x50;
	[sflag:s26] =	ssyncset.done $0x0  }
.LBB2_2:
0x4d: {  	s4 =	sadd.s32 s30, s14  }
0x4e: {  	[sflag:s26] =	ssyncadd.s32 $0xFFFFD800;
	s7 =	smov.u32 s0;
	s1 =	sadd.s32 $0x28, s0  }
0x4f: {  	[tilespmem:s18], [sflag:$0x1] =	stream.linear.gather [hbm4b:s4+s3], $0x50, $0x38;
	[tilespmem:$0x1E200] =	vst v63  }
0x50: {  	p0 =	sne.s32 s0, $0x988;
	s0 =	sadd.s32 s30, s15  }
0x51: {  	[tilespmem:s19], [sflag:$0x1] =	stream.linear.gather [hbm4b:s0+s3], $0x50, $0x38;
	[tilespmem:$0x1E200] =	vst v63  }
0x52: {  	s0 =	sadd.s32 $0xFFFFF600, s31  }
0x53: {  	[tilespmem:s3], [sflag:$0x1] =	stream.linear.gather [hbm4b:s0+s3], $0x5000, $0x38;
	[tilespmem:$0x1E200] =	vst v63  }
0x54: {  	_ =	swait.ge [sflag:s20], $0x50  }
0x55: {  	[sflag:s20] =	ssyncset.done $0x0  }
0x56: {  	[sflag:s20] =	ssyncadd.s32 $0xFFFFFFB0  }
0x57: {  	_ =	swait.ge [sflag:s20], $0x50  }
0x58: {  	[sflag:s20] =	ssyncset.done $0x0  }
0x59: {  	[sflag:s20] =	ssyncadd.s32 $0xFFFFFFB0  }
0x5a: {  	_ =	swait.ge [sflag:s20], $0x5000  }
0x5b: {  	[sflag:s20] =	ssyncset.done $0x0  }
0x5c: {  	[sflag:s20] =	ssyncadd.s32 $0xFFFFB000  }
0x5d: {  	[spmem:s2] =	stream.indirect.scatter.add.f32 [tilespmem:s3], [sflag:$0x1], $0x80, s18, s21, $0xb8;
	[tilespmem:$0x1E200] =	vst v63  }
0x5e: {  	_ = 	snop  }
0x5f: {  	[spmem:s2] =	stream.indirect.scatter.add.f32 [tilespmem:s22], [sflag:$0x1], $0x80, s19, s21, $0xb8;
	[tilespmem:$0x1E200] =	vst v63  }
0x60: {  	s0 =	sadd.s32 s30, s12  }
0x61: {  	[tilespmem:s23], [sflag:$0x2] =	stream.linear.gather [hbm4b:s0+s3], $0x50, $0x38;
	[tilespmem:$0x1E200] =	vst v63  }
0x62: {  	s0 =	sadd.s32 s30, s13;
	s30 =	smov.u32 s7  }
0x63: {  	[tilespmem:s24], [sflag:$0x2] =	stream.linear.gather [hbm4b:s0+s3], $0x50, $0x38;
	[tilespmem:$0x1E200] =	vst v63  }
0x64: {  	_ = 	snop  }
0x65: {  	[tilespmem:s25], [sflag:$0x2] =	stream.linear.gather [hbm4b:s31+s3], $0x5000, $0x38;
	[tilespmem:$0x1E200] =	vst v63  }
0x66: {  	_ =	swait.ge [sflag:s20], $0x2800  }
0x67: {  	[sflag:s20] =	ssyncset.done $0x0  }
0x68: {  	[sflag:s20] =	ssyncadd.s32 $0xFFFFD800  }
0x69: {  	_ =	swait.ge [sflag:s20], $0x2800  }
0x6a: {  	[sflag:s20] =	ssyncset.done $0x0  }
0x6b: {  	[sflag:s20] =	ssyncadd.s32 $0xFFFFD800  }
0x6c: {  	_ =	swait.ge [sflag:s26], $0x50  }
0x6d: {  	[sflag:s26] =	ssyncset.done $0x0  }
0x6e: {  	[sflag:s26] =	ssyncadd.s32 $0xFFFFFFB0  }
0x6f: {  	_ =	swait.ge [sflag:s26], $0x50  }
0x70: {  	[sflag:s26] =	ssyncset.done $0x0  }
0x71: {  	[sflag:s26] =	ssyncadd.s32 $0xFFFFFFB0  }
0x72: {  	_ =	swait.ge [sflag:s26], $0x5000  }
0x73: {  	[sflag:s26] =	ssyncset.done $0x0  }
0x74: {  	[sflag:s26] =	ssyncadd.s32 $0xFFFFB000  }
0x75: {  	[spmem:s2] =	stream.indirect.scatter.add.f32 [tilespmem:s25], [sflag:$0x2], $0x80, s23, s21, $0xb8;
	[tilespmem:$0x1E200] =	vst v63  }
0x76: {  	_ = 	snop  }
0x77: {  	[spmem:s2] =	stream.indirect.scatter.add.f32 [tilespmem:s28], [sflag:$0x2], $0x80, s24, s21, $0xb8;
	[tilespmem:$0x1E200] =	vst v63  }
.Ltmp0:
0x78: {  	_ =	swait.ge [sflag:s26], $0x2800;
	(pc) =	sbr.rel @p0 .LBB2_2-.Ltmp0, $4  }
0x79: {  	[sflag:s26] =	ssyncset.done $0x0  }
0x7a: {  	[sflag:s26] =	ssyncadd.s32 $0xFFFFD800  }
0x7b: {  	_ =	swait.ge [sflag:s26], $0x2800  }
0x7c: {  	s0 =	smov.u32 s1;
	s31 =	sadd.s32 $0x1400, s31;
	[sflag:s26] =	ssyncset.done $0x0  }
0x7d: {  	s0 =	sadd.s32 s30, s14;
	[sflag:s26] =	ssyncadd.s32 $0xFFFFD800  }
0x7e: {  	[tilespmem:s18], [sflag:$0x1] =	stream.linear.gather [hbm4b:s0+s3], $0x50, $0x38;
	[tilespmem:$0x1E200] =	vst v63  }
0x7f: {  	s1 =	sadd.s32 s30, s15  }
0x80: {  	[tilespmem:s19], [sflag:$0x1] =	stream.linear.gather [hbm4b:s1+s3], $0x50, $0x38;
	[tilespmem:$0x1E200] =	vst v63  }
0x81: {  	s4 =	sadd.s32 $0xFFFFF600, s31  }
0x82: {  	[tilespmem:s3], [sflag:$0x1] =	stream.linear.gather [hbm4b:s4+s3], $0x5000, $0x38;
	[tilespmem:$0x1E200] =	vst v63  }
0x83: {  	_ =	swait.ge [sflag:s20], $0x50  }
0x84: {  	[sflag:s20] =	ssyncset.done $0x0  }
0x85: {  	[sflag:s20] =	ssyncadd.s32 $0xFFFFFFB0  }
0x86: {  	_ =	swait.ge [sflag:s20], $0x50  }
0x87: {  	[sflag:s20] =	ssyncset.done $0x0  }
0x88: {  	[sflag:s20] =	ssyncadd.s32 $0xFFFFFFB0  }
0x89: {  	_ =	swait.ge [sflag:s20], $0x5000  }
0x8a: {  	[sflag:s20] =	ssyncset.done $0x0  }
0x8b: {  	[sflag:s20] =	ssyncadd.s32 $0xFFFFB000  }
0x8c: {  	[spmem:s2] =	stream.indirect.scatter.add.f32 [tilespmem:s3], [sflag:$0x1], $0x80, s18, s21, $0xb8;
	[tilespmem:$0x1E200] =	vst v63  }
0x8d: {  	_ = 	snop  }
0x8e: {  	[spmem:s2] =	stream.indirect.scatter.add.f32 [tilespmem:s22], [sflag:$0x1], $0x80, s19, s21, $0xb8;
	[tilespmem:$0x1E200] =	vst v63  }
0x8f: {  	s7 =	sadd.s32 s30, s12  }
0x90: {  	[tilespmem:s23], [sflag:$0x2] =	stream.linear.gather [hbm4b:s7+s3], $0x50, $0x38;
	[tilespmem:$0x1E200] =	vst v63  }
0x91: {  	s30 =	sadd.s32 s30, s13  }
0x92: {  	[tilespmem:s24], [sflag:$0x2] =	stream.linear.gather [hbm4b:s30+s3], $0x50, $0x38;
	[tilespmem:$0x1E200] =	vst v63  }
0x93: {  	_ = 	snop  }
0x94: {  	[tilespmem:s25], [sflag:$0x2] =	stream.linear.gather [hbm4b:s31+s3], $0x5000, $0x38;
	[tilespmem:$0x1E200] =	vst v63  }
0x95: {  	_ =	swait.ge [sflag:s20], $0x2800  }
0x96: {  	[sflag:s20] =	ssyncset.done $0x0  }
0x97: {  	[sflag:s20] =	ssyncadd.s32 $0xFFFFD800  }
0x98: {  	_ =	swait.ge [sflag:s20], $0x2800  }
0x99: {  	[sflag:s20] =	ssyncset.done $0x0  }
0x9a: {  	[sflag:s20] =	ssyncadd.s32 $0xFFFFD800  }
0x9b: {  	_ =	swait.ge [sflag:s26], $0x50  }
0x9c: {  	[sflag:s26] =	ssyncset.done $0x0  }
0x9d: {  	[sflag:s26] =	ssyncadd.s32 $0xFFFFFFB0  }
0x9e: {  	_ =	swait.ge [sflag:s26], $0x50  }
0x9f: {  	[sflag:s26] =	ssyncset.done $0x0  }
0xa0: {  	[sflag:s26] =	ssyncadd.s32 $0xFFFFFFB0  }
0xa1: {  	_ =	swait.ge [sflag:s26], $0x5000  }
0xa2: {  	[sflag:s26] =	ssyncset.done $0x0  }
0xa3: {  	[sflag:s26] =	ssyncadd.s32 $0xFFFFB000  }
0xa4: {  	[spmem:s2] =	stream.indirect.scatter.add.f32 [tilespmem:s25], [sflag:$0x2], $0x80, s23, s21, $0xb8;
	[tilespmem:$0x1E200] =	vst v63  }
0xa5: {  	_ = 	snop  }
0xa6: {  	[spmem:s2] =	stream.indirect.scatter.add.f32 [tilespmem:s28], [sflag:$0x2], $0x80, s24, s21, $0xb8;
	[tilespmem:$0x1E200] =	vst v63  }
0xa7: {  	_ =	swait.ge [sflag:s26], $0x2800  }
0xa8: {  	[sflag:s26] =	ssyncset.done $0x0  }
0xa9: {  	[sflag:s26] =	ssyncadd.s32 $0xFFFFD800  }
0xaa: {  	_ =	swait.ge [sflag:s26], $0x2800  }
0xab: {  	[sflag:s26] =	ssyncset.done $0x0  }
0xac: {  	[sflag:s26] =	ssyncadd.s32 $0xFFFFD800  }
0xad: {  	[tilespmem:s18], [sflag:$0x1] =	stream.linear.gather [hbm4b:s5+s3], $0x50, $0x38;
	[tilespmem:$0x1E200] =	vst v63  }
0xae: {  	s31 =	rddreg [dreg:$0x6]  }
0xaf: {  	[tilespmem:s19], [sflag:$0x1] =	stream.linear.gather [hbm4b:s31+s3], $0x50, $0x38;
	[tilespmem:$0x1E200] =	vst v63  }
0xb0: {  	_ = 	snop  }
0xb1: {  	[tilespmem:s3], [sflag:$0x1] =	stream.linear.gather [hbm4b:s8+s3], $0x5000, $0x38;
	[tilespmem:$0x1E200] =	vst v63  }
0xb2: {  	_ =	swait.ge [sflag:s20], $0x50  }
0xb3: {  	[sflag:s20] =	ssyncset.done $0x0  }
0xb4: {  	[sflag:s20] =	ssyncadd.s32 $0xFFFFFFB0  }
0xb5: {  	_ =	swait.ge [sflag:s20], $0x50  }
0xb6: {  	[sflag:s20] =	ssyncset.done $0x0  }
0xb7: {  	[sflag:s20] =	ssyncadd.s32 $0xFFFFFFB0  }
0xb8: {  	_ =	swait.ge [sflag:s20], $0x5000  }
0xb9: {  	[sflag:s20] =	ssyncset.done $0x0  }
0xba: {  	[sflag:s20] =	ssyncadd.s32 $0xFFFFB000  }
0xbb: {  	[spmem:s2] =	stream.indirect.scatter.add.f32 [tilespmem:s3], [sflag:$0x1], $0x80, s18, s21, $0xb8;
	[tilespmem:$0x1E200] =	vst v63  }
0xbc: {  	_ = 	snop  }
0xbd: {  	[spmem:s2] =	stream.indirect.scatter.add.f32 [tilespmem:s22], [sflag:$0x1], $0x80, s19, s21, $0xb8;
	[tilespmem:$0x1E200] =	vst v63  }
0xbe: {  	_ =	swait.ge [sflag:s20], $0x2800  }
0xbf: {  	[sflag:s20] =	ssyncset.done $0x0  }
0xc0: {  	[sflag:s20] =	ssyncadd.s32 $0xFFFFD800  }
0xc1: {  	_ =	swait.ge [sflag:s20], $0x2800  }
0xc2: {  	s29 =	sadd.s32 $0x1, s29;
	[sflag:s20] =	ssyncset.done $0x0  }
0xc3: {  	p0 =	sne.s32 s29, s10;
	[sflag:s20] =	ssyncadd.s32 $0xFFFFD800  }
.Ltmp1:
0xc4: {  	[bflag:$0x0] =	sbarrier.arrive $0xFFFF;
	(pc) =	sbr.rel @p0 .LBB2_1-.Ltmp1, $4  }
0xc5: {  	[hbm:s9], [sflag:s6] =	dma.local [spmem:s16], $0x2800  }
0xc6: {  	_ =	swait.ge [sflag:s17], $0x2800  }
0xc7: {  	[sflag:s17] =	ssyncset.done $0x0  }
0xc8: {  	[sflag:s17] =	ssyncadd.s32 $0xFFFFD800  }
0xc9: {  	_ =	sfence.sel $0x180000  }
0xca: {  	[bflag:$0x0] =	sbarrier.arrive $0xFFFF  }
0xcb: {  	_ =	strace $0x9000004A  }
0xcc: {  	s0 =	stileid.u32;
	[bflag:$0x2] =	sbarrier.arrive $0xFFFF  }
0xcd: {  	p0 =	sne.s32 s0, $0x0;
	s0 =	rddreg [dreg:$0x4]  }
0xce: {  	s0 =	sadd.s32 @!p0 $0x100000, s0  }
0xcf: {  	[sflag:s0] =	ssyncadd.tile.s32 @!p0 $0x1;
	_ =	shalt  }
.Lfunc_end2:
_tile_overlayer_lowered:
.L_overlay_start_2:
0xd0: {  	(tag) =	ssettag $0x2  }
0xd1: {  	s0 =	rddreg [dreg:$0x0];
	s2 =	stileid.u32  }
0xd2: {  	s1 =	rddreg [dreg:$0x1];
	p0 =	sne.s32 s2, $0x0  }
0xd3: {  	s3 =	rddreg [dreg:$0x2];
	[bflag:$0x3] =	sbarrier.arrive $0xFFFF;
	s2 =	simm.s32 @!p0 $0x1C03  }
0xd4: {  	[timem:s3], [sflag:s2] =	dma.local @!p0 [hbm:s0], s1  }
0xd5: {  	s0 =	simm.s32 @!p0 $0x3  }
0xd6: {  	_ =	swait.ge @!p0 [sflag:s0], s1  }
0xd7: {  	s1 =	ssub.s32 @!p0 $0x0, s1;
	[sflag:s0] =	ssyncset.done @!p0 $0x0  }
0xd8: {  	[sflag:s0] =	ssyncadd.s32 @!p0 s1  }
0xd9: {  	[bflag:$0x3] =	sbarrier.arrive $0xFFFF  }
0xda: {  	_ =	shalt  }

</sc_bundles>
